<compile_context>
chip_gen: v7x
topology: tpu7x:2x2x1
jax: 0.10.2.dev20260603
libtpu: 0.0.44.dev20260713+nightly
codegen_flags: <defaults>
</compile_context>

<pallas_src>
import jax
import jax.numpy as jnp
import numpy as np
from jax import lax
from jax.experimental import pallas as pl
from jax.experimental.pallas import tpu as pltpu
from jax.experimental.pallas import tpu_sc as plsc

N_NODES = 10000
N_TRIPLES = 640000
CFG_W = 22
OUT_W = 3 * CFG_W + 3
PAD_W = 72
TAIL_W = 8
NZ = 100
IW = 24
JW = 40

_ORB = '1s 2s 2p 3s 3p 4s 3d 4p 5s 4d 5p 6s 4f 5d 6p 7s 5f 6d 7p 6f 7d 7f'.split()
_CAP = dict(s=2, p=6, d=10, f=14)


def _cfg_row(a):
    cnt, last, row = 0, -1, []
    for o in _ORB:
        if cnt < a:
            c = _CAP[o[-1]]
            row.append(c)
            cnt += c
            last += 1
        else:
            row.append(0)
    if cnt > a:
        row[last] -= cnt - a
    return row


_TAB_NP = np.array([_cfg_row(a) for a in range(NZ)], dtype=np.float32)

_ITAB_NP = np.zeros((NZ * NZ, IW), dtype=np.float32)
_ITAB_NP[:, 0:CFG_W] = np.repeat(_TAB_NP, NZ, axis=0)
_ITAB_NP[:, CFG_W:IW] = np.tile(_TAB_NP[:, 0:2], (NZ, 1))

_JTAB_NP = np.zeros((NZ * NZ, JW), dtype=np.float32)
_JTAB_NP[:, 0:CFG_W - 2] = np.repeat(_TAB_NP[:, 2:CFG_W], NZ, axis=0)
_JTAB_NP[:, CFG_W - 2:JW] = np.tile(_TAB_NP[:, 0:CFG_W - 2], (NZ, 1))

_T20_NP = np.ascontiguousarray(_TAB_NP[:, 20])
_T21_NP = np.ascontiguousarray(_TAB_NP[:, 21])

NW = 32
CHUNK = 800
PER_W = N_TRIPLES // NW
N_CH = PER_W // CHUNK
VEC_IT = CHUNK // 16


def _sc_body(ti_hbm, tj_hbm, tk_hbm, idxj_hbm, z_hbm, px_hbm, py_hbm,
             itab_hbm, jtab_hbm, t20_hbm, t21_hbm,
             out_hbm,
             itab_sp, jtab_sp, px_v, py_v, t20_v, t21_v,
             ti_v, tj_v, tk_v, jn_v, kn_v, zi_v, zj_v, zk_v, pidx_v, qidx_v,
             tail_b, ti_b, tj_b, sem):
    cid = lax.axis_index("c")
    sid = lax.axis_index("s")
    wid = sid * 2 + cid
    base = wid * PER_W

    @pl.when(sid == 0)
    def _():
        pltpu.sync_copy(itab_hbm, itab_sp)
        pltpu.sync_copy(jtab_hbm, jtab_sp)

    pltpu.sync_copy(px_hbm, px_v)
    pltpu.sync_copy(py_hbm, py_v)
    pltpu.sync_copy(t20_hbm, t20_v)
    pltpu.sync_copy(t21_hbm, t21_v)
    plsc.subcore_barrier()

    k0 = jnp.full((16,), 0, jnp.int32)
    k1 = jnp.full((16,), 1, jnp.int32)
    k2 = jnp.full((16,), 2, jnp.int32)
    k3 = jnp.full((16,), 3, jnp.int32)
    k4 = jnp.full((16,), 4, jnp.int32)

    def chunk_body(ci, _):
        g0 = base + ci * CHUNK
        a1 = pltpu.async_copy(ti_hbm.at[pl.ds(g0, CHUNK)], ti_v, sem)
        a2 = pltpu.async_copy(tj_hbm.at[pl.ds(g0, CHUNK)], tj_v, sem)
        a3 = pltpu.async_copy(tk_hbm.at[pl.ds(g0, CHUNK)], tk_v, sem)
        a1.wait(); a2.wait(); a3.wait()
        b1 = pltpu.async_copy(idxj_hbm.at[tj_v], jn_v, sem)
        b2 = pltpu.async_copy(idxj_hbm.at[tk_v], kn_v, sem)
        c1 = pltpu.async_copy(z_hbm.at[ti_v], zi_v, sem)
        b1.wait(); b2.wait()
        c2 = pltpu.async_copy(z_hbm.at[jn_v], zj_v, sem)
        c3 = pltpu.async_copy(z_hbm.at[kn_v], zk_v, sem)
        c1.wait(); c2.wait(); c3.wait()

        def pidx_body(vi, _):
            s = pl.ds(vi * 16, 16)
            zj = zj_v[s]
            pidx_v[s] = zj * 100 + zk_v[s]
            qidx_v[s] = zi_v[s] * 100 + zj
            return _

        lax.fori_loop(0, VEC_IT, pidx_body, 0, unroll=4)

        e1 = pltpu.async_copy(itab_sp.at[qidx_v], ti_b, sem)
        e2 = pltpu.async_copy(jtab_sp.at[pidx_v], tj_b, sem)

        def vec_body(vi, _):
            row16 = lax.iota(jnp.int32, 16) + vi * 16
            ti16 = ti_v[pl.ds(vi * 16, 16)]
            jn16 = jn_v[pl.ds(vi * 16, 16)]
            kn16 = kn_v[pl.ds(vi * 16, 16)]
            zk16 = zk_v[pl.ds(vi * 16, 16)]
            pxi = plsc.load_gather(px_v, [ti16])
            pxj = plsc.load_gather(px_v, [jn16])
            pxk = plsc.load_gather(px_v, [kn16])
            pyi = plsc.load_gather(py_v, [ti16])
            pyj = plsc.load_gather(py_v, [jn16])
            pyk = plsc.load_gather(py_v, [kn16])
            t20 = plsc.load_gather(t20_v, [zk16])
            t21 = plsc.load_gather(t21_v, [zk16])
            sx = ((pxj - pxi) + (pxk - pxi)) * 0.5
            y2 = pyj - pyi
            y3 = pyk - pyi
            plsc.store_scatter(tail_b, [row16, k0], t20)
            plsc.store_scatter(tail_b, [row16, k1], t21)
            plsc.store_scatter(tail_b, [row16, k2], sx)
            plsc.store_scatter(tail_b, [row16, k3], y2)
            plsc.store_scatter(tail_b, [row16, k4], y3)
            return _

        lax.fori_loop(0, VEC_IT, vec_body, 0, unroll=2)
        e1.wait(); e2.wait()
        h0 = pltpu.async_copy(
            tail_b, out_hbm.at[pl.ds(g0, CHUNK), pl.ds(JW + IW, TAIL_W)], sem)
        h1 = pltpu.async_copy(
            ti_b, out_hbm.at[pl.ds(g0, CHUNK), pl.ds(0, IW)], sem)
        h2 = pltpu.async_copy(
            tj_b, out_hbm.at[pl.ds(g0, CHUNK), pl.ds(IW, JW)], sem)
        h0.wait(); h1.wait(); h2.wait()
        return _

    lax.fori_loop(0, N_CH, chunk_body, 0)


@jax.jit
def kernel(triple_idx_i, triple_idx_j, triple_idx_k, idx_i, idx_j, z, positions):
    del idx_i
    itab = jnp.asarray(_ITAB_NP)
    jtab = jnp.asarray(_JTAB_NP)
    t20 = jnp.asarray(_T20_NP)
    t21 = jnp.asarray(_T21_NP)
    px = positions[:, 0]
    py = positions[:, 1]
    mesh = plsc.VectorSubcoreMesh(core_axis_name="c", subcore_axis_name="s")
    f = pl.kernel(
        _sc_body,
        out_type=jax.ShapeDtypeStruct((N_TRIPLES, PAD_W), jnp.float32),
        mesh=mesh,
        compiler_params=pltpu.CompilerParams(
            needs_layout_passes=False, use_tc_tiling_on_sc=False),
        scratch_types=[
            pltpu.VMEM_SHARED((NZ * NZ, IW), jnp.float32),
            pltpu.VMEM_SHARED((NZ * NZ, JW), jnp.float32),
            pltpu.VMEM((N_NODES,), jnp.float32),
            pltpu.VMEM((N_NODES,), jnp.float32),
            pltpu.VMEM((NZ,), jnp.float32),
            pltpu.VMEM((NZ,), jnp.float32),
            pltpu.VMEM((CHUNK,), jnp.int32),
            pltpu.VMEM((CHUNK,), jnp.int32),
            pltpu.VMEM((CHUNK,), jnp.int32),
            pltpu.VMEM((CHUNK,), jnp.int32),
            pltpu.VMEM((CHUNK,), jnp.int32),
            pltpu.VMEM((CHUNK,), jnp.int32),
            pltpu.VMEM((CHUNK,), jnp.int32),
            pltpu.VMEM((CHUNK,), jnp.int32),
            pltpu.VMEM((CHUNK,), jnp.int32),
            pltpu.VMEM((CHUNK,), jnp.int32),
            pltpu.VMEM((CHUNK, TAIL_W), jnp.float32),
            pltpu.VMEM((CHUNK, IW), jnp.float32),
            pltpu.VMEM((CHUNK, JW), jnp.float32),
            pltpu.SemaphoreType.DMA,
        ],
    )
    out = f(triple_idx_i, triple_idx_j, triple_idx_k, idx_j, z, px, py,
            itab, jtab, t20, t21)
    return out[:, :OUT_W]

# --- scband reference (transcript-rebuilt; emitter-appended) ---
"""Pipeline reference for scband-triple-atoms-distance-adumbration-48412871360692 (READ-ONLY COPY).

The authoritative reference and input builder live on the scoring server;
editing this copy changes nothing except your own understanding.
"""

import jax, jax.numpy as jnp
import numpy as np

ORBITALS = '1s 2s 2p 3s 3p 4s 3d 4p 5s 4d 5p 6s 4f 5d 6p 7s 5f 6d 7p 6f 7d 7f'.split()
POSSIBLE_ELECTRONS = dict(s=2, p=6, d=10, f=14)
N_NODES = 10000
N_EDGES = 640000
N_TRIPLES = 640000
ORBITALS_SIZE = 22


def generate_electron_configurations(atomic_num):
    electron_count, last_idx, config = 0, -1, []
    for orb in ORBITALS:
        if electron_count < atomic_num:
            config.append(POSSIBLE_ELECTRONS[orb[-1]])
            electron_count += POSSIBLE_ELECTRONS[orb[-1]]
            last_idx += 1
        else:
            config.append(0)
    if electron_count > atomic_num:
        config[last_idx] -= electron_count - atomic_num
    return config


def setup_inputs(seed: int = 0):
    key = jax.random.key(seed)
    ks = jax.random.split(key, 7)
    return {
        'triple_idx_i': jax.random.randint(ks[0], (N_TRIPLES,), 0, N_NODES, dtype=jnp.int32),
        'triple_idx_j': jax.random.randint(ks[1], (N_TRIPLES,), 0, N_EDGES, dtype=jnp.int32),
        'triple_idx_k': jax.random.randint(ks[2], (N_TRIPLES,), 0, N_EDGES, dtype=jnp.int32),
        'idx_i': jax.random.randint(ks[3], (N_EDGES,), 0, N_NODES, dtype=jnp.int32),
        'idx_j': jax.random.randint(ks[4], (N_EDGES,), 0, N_NODES, dtype=jnp.int32),
        'z': jax.random.randint(ks[5], (N_NODES,), 0, 100, dtype=jnp.int32),
        'positions': jax.random.normal(ks[6], (N_NODES, 3), dtype=jnp.float32),
    }


_Z_MAX = 100  # static upper bound of the randint draw for z in setup_inputs
_CONFIG_TABLE = np.array([generate_electron_configurations(a) for a in range(_Z_MAX)], dtype=np.float32)


def _electron_config_matrix(z):
    table = jnp.asarray(_CONFIG_TABLE)
    return table[z]


def _transform_triplet_coordinates(triplets, pos):
    a1_coords = pos[triplets[:, 0]]
    a2_coords = pos[triplets[:, 1]]
    a3_coords = pos[triplets[:, 2]]
    a2_relative = a2_coords - a1_coords
    a3_relative = a3_coords - a1_coords
    shared_x = (a2_relative[:, 0] + a3_relative[:, 0]) / 2
    # keep_z == False branch: columns are [shared_x, a2.y, a3.y]
    return jnp.stack([shared_x, a2_relative[:, 1], a3_relative[:, 1]], axis=1)


def reference(triple_idx_i, triple_idx_j, triple_idx_k, idx_i, idx_j, z, positions):
    j_nodes = idx_j[triple_idx_j]
    k_nodes = idx_j[triple_idx_k]
    triplets = jnp.concatenate([triple_idx_i.reshape(-1, 1), j_nodes.reshape(-1, 1), k_nodes.reshape(-1, 1)], axis=1)
    triplets_pos = _transform_triplet_coordinates(triplets, positions)
    atoms_electron_config = _electron_config_matrix(z)
    # zeros-buffer + slice-assign in the torch code is equivalent to a concat:
    # [:, :3*orbitals] = configs of (i, j, k); [:, -3:] = triplets_pos
    triple_representation = jnp.concatenate([
        atoms_electron_config[triple_idx_i],
        atoms_electron_config[j_nodes],
        atoms_electron_config[k_nodes],
        triplets_pos,
    ], axis=1)
    return triple_representation

if __name__ == "__main__":
    import jax
    _d = setup_inputs()
    print(jax.jit(kernel)(*tuple(_d.values())))

</pallas_src>

<mosaic_0001>
#map = affine_map<(d0, d1) -> (0)>
#map1 = affine_map<(d0, d1) -> (0, 0)>
module attributes {stable_mosaic.version = 14 : i64} {
  func.func @_sc_body(%arg0: i32, %arg1: i32, %arg2: memref<640000xi32, #tpu.memory_space<hbm>>, %arg3: memref<640000xi32, #tpu.memory_space<hbm>>, %arg4: memref<640000xi32, #tpu.memory_space<hbm>>, %arg5: memref<640000xi32, #tpu.memory_space<hbm>>, %arg6: memref<10000xi32, #tpu.memory_space<hbm>>, %arg7: memref<10000xf32, #tpu.memory_space<hbm>>, %arg8: memref<10000xf32, #tpu.memory_space<hbm>>, %arg9: memref<10000x24xf32, #tpu.memory_space<hbm>>, %arg10: memref<10000x40xf32, #tpu.memory_space<hbm>>, %arg11: memref<100xf32, #tpu.memory_space<hbm>>, %arg12: memref<100xf32, #tpu.memory_space<hbm>>, %arg13: memref<640000x72xf32, #tpu.memory_space<hbm>>, %arg14: memref<10000x24xf32, #tpu.memory_space<vmem_shared>>, %arg15: memref<10000x40xf32, #tpu.memory_space<vmem_shared>>, %arg16: memref<10000xf32, #tpu.memory_space<vmem>>, %arg17: memref<10000xf32, #tpu.memory_space<vmem>>, %arg18: memref<100xf32, #tpu.memory_space<vmem>>, %arg19: memref<100xf32, #tpu.memory_space<vmem>>, %arg20: memref<800xi32, #tpu.memory_space<vmem>>, %arg21: memref<800xi32, #tpu.memory_space<vmem>>, %arg22: memref<800xi32, #tpu.memory_space<vmem>>, %arg23: memref<800xi32, #tpu.memory_space<vmem>>, %arg24: memref<800xi32, #tpu.memory_space<vmem>>, %arg25: memref<800xi32, #tpu.memory_space<vmem>>, %arg26: memref<800xi32, #tpu.memory_space<vmem>>, %arg27: memref<800xi32, #tpu.memory_space<vmem>>, %arg28: memref<800xi32, #tpu.memory_space<vmem>>, %arg29: memref<800xi32, #tpu.memory_space<vmem>>, %arg30: memref<800x8xf32, #tpu.memory_space<vmem>>, %arg31: memref<800x24xf32, #tpu.memory_space<vmem>>, %arg32: memref<800x40xf32, #tpu.memory_space<vmem>>, %arg33: memref<!tpu.dma_semaphore, #tpu.memory_space<semaphore_mem>>) attributes {dimension_semantics = [#tpu.dimension_semantics<core_parallel>, #tpu.dimension_semantics<subcore_parallel>], iteration_bounds = array<i64: 2, 16>, scalar_prefetch = 0 : i64, scratch_operands = 20 : i64, tpu.core_type = #tpu.core_type<sc_vector_subcore>, window_params = [{transform_indices = #map}, {transform_indices = #map}, {transform_indices = #map}, {transform_indices = #map}, {transform_indices = #map}, {transform_indices = #map}, {transform_indices = #map}, {transform_indices = #map1}, {transform_indices = #map1}, {transform_indices = #map}, {transform_indices = #map}, {transform_indices = #map1}]} {
    %mul3A = arith.constant 2 : i32
    %mul3A_0 = arith.muli %arg1, %mul3A : i32
    %add3A = arith.addi %mul3A_0, %arg0 : i32
    %mul3A_1 = arith.constant 20000 : i32
    %mul3A_2 = arith.muli %add3A, %mul3A_1 : i32
    %eq3A = arith.constant 0 : i32
    %eq3A_3 = arith.cmpi eq, %arg1, %eq3A : i32
    %convert_element_type3A = arith.extui %eq3A_3 : i1 to i32
    %cond3A = arith.constant 0 : i32
    %cond3A_4 = arith.cmpi ne, %convert_element_type3A, %cond3A : i32
    scf.if %cond3A_4 {
      "tpu.region"() ({
        %run_scoped3A = tpu.sem_alloc : memref<!tpu.dma_semaphore, #tpu.memory_space<semaphore_mem>>
        tpu.enqueue_dma source(%arg9 : memref<10000x24xf32, #tpu.memory_space<hbm>>) target(%arg14 : memref<10000x24xf32, #tpu.memory_space<vmem_shared>>) target_semaphore(%run_scoped3A : memref<!tpu.dma_semaphore, #tpu.memory_space<semaphore_mem>>)
        tpu.wait_dma2 semaphore(%run_scoped3A : memref<!tpu.dma_semaphore, #tpu.memory_space<semaphore_mem>>) src(%arg9 : memref<10000x24xf32, #tpu.memory_space<hbm>>) dst(%arg14 : memref<10000x24xf32, #tpu.memory_space<vmem_shared>>)
        tpu.yield
      }) : () -> ()
      "tpu.region"() ({
        %run_scoped3A = tpu.sem_alloc : memref<!tpu.dma_semaphore, #tpu.memory_space<semaphore_mem>>
        tpu.enqueue_dma source(%arg10 : memref<10000x40xf32, #tpu.memory_space<hbm>>) target(%arg15 : memref<10000x40xf32, #tpu.memory_space<vmem_shared>>) target_semaphore(%run_scoped3A : memref<!tpu.dma_semaphore, #tpu.memory_space<semaphore_mem>>)
        tpu.wait_dma2 semaphore(%run_scoped3A : memref<!tpu.dma_semaphore, #tpu.memory_space<semaphore_mem>>) src(%arg10 : memref<10000x40xf32, #tpu.memory_space<hbm>>) dst(%arg15 : memref<10000x40xf32, #tpu.memory_space<vmem_shared>>)
        tpu.yield
      }) : () -> ()
    } else {
    }
    "tpu.region"() ({
      %run_scoped3A = tpu.sem_alloc : memref<!tpu.dma_semaphore, #tpu.memory_space<semaphore_mem>>
      tpu.enqueue_dma source(%arg7 : memref<10000xf32, #tpu.memory_space<hbm>>) target(%arg16 : memref<10000xf32, #tpu.memory_space<vmem>>) target_semaphore(%run_scoped3A : memref<!tpu.dma_semaphore, #tpu.memory_space<semaphore_mem>>)
      tpu.wait_dma2 semaphore(%run_scoped3A : memref<!tpu.dma_semaphore, #tpu.memory_space<semaphore_mem>>) src(%arg7 : memref<10000xf32, #tpu.memory_space<hbm>>) dst(%arg16 : memref<10000xf32, #tpu.memory_space<vmem>>)
      tpu.yield
    }) : () -> ()
    "tpu.region"() ({
      %run_scoped3A = tpu.sem_alloc : memref<!tpu.dma_semaphore, #tpu.memory_space<semaphore_mem>>
      tpu.enqueue_dma source(%arg8 : memref<10000xf32, #tpu.memory_space<hbm>>) target(%arg17 : memref<10000xf32, #tpu.memory_space<vmem>>) target_semaphore(%run_scoped3A : memref<!tpu.dma_semaphore, #tpu.memory_space<semaphore_mem>>)
      tpu.wait_dma2 semaphore(%run_scoped3A : memref<!tpu.dma_semaphore, #tpu.memory_space<semaphore_mem>>) src(%arg8 : memref<10000xf32, #tpu.memory_space<hbm>>) dst(%arg17 : memref<10000xf32, #tpu.memory_space<vmem>>)
      tpu.yield
    }) : () -> ()
    "tpu.region"() ({
      %run_scoped3A = tpu.sem_alloc : memref<!tpu.dma_semaphore, #tpu.memory_space<semaphore_mem>>
      tpu.enqueue_dma source(%arg11 : memref<100xf32, #tpu.memory_space<hbm>>) target(%arg18 : memref<100xf32, #tpu.memory_space<vmem>>) target_semaphore(%run_scoped3A : memref<!tpu.dma_semaphore, #tpu.memory_space<semaphore_mem>>)
      tpu.wait_dma2 semaphore(%run_scoped3A : memref<!tpu.dma_semaphore, #tpu.memory_space<semaphore_mem>>) src(%arg11 : memref<100xf32, #tpu.memory_space<hbm>>) dst(%arg18 : memref<100xf32, #tpu.memory_space<vmem>>)
      tpu.yield
    }) : () -> ()
    "tpu.region"() ({
      %run_scoped3A = tpu.sem_alloc : memref<!tpu.dma_semaphore, #tpu.memory_space<semaphore_mem>>
      tpu.enqueue_dma source(%arg12 : memref<100xf32, #tpu.memory_space<hbm>>) target(%arg19 : memref<100xf32, #tpu.memory_space<vmem>>) target_semaphore(%run_scoped3A : memref<!tpu.dma_semaphore, #tpu.memory_space<semaphore_mem>>)
      tpu.wait_dma2 semaphore(%run_scoped3A : memref<!tpu.dma_semaphore, #tpu.memory_space<semaphore_mem>>) src(%arg12 : memref<100xf32, #tpu.memory_space<hbm>>) dst(%arg19 : memref<100xf32, #tpu.memory_space<vmem>>)
      tpu.yield
    }) : () -> ()
    %barrier3A = arith.constant 0 : index
    tpu.barrier barrier_id(%barrier3A)
    %broadcast_in_dim3A = arith.constant 0 : i32
    %broadcast_in_dim3A_5 = vector.broadcast %broadcast_in_dim3A : i32 to vector<16xi32>
    %broadcast_in_dim3A_6 = arith.constant 1 : i32
    %broadcast_in_dim3A_7 = vector.broadcast %broadcast_in_dim3A_6 : i32 to vector<16xi32>
    %broadcast_in_dim3A_8 = arith.constant 2 : i32
    %broadcast_in_dim3A_9 = vector.broadcast %broadcast_in_dim3A_8 : i32 to vector<16xi32>
    %broadcast_in_dim3A_10 = arith.constant 3 : i32
    %broadcast_in_dim3A_11 = vector.broadcast %broadcast_in_dim3A_10 : i32 to vector<16xi32>
    %broadcast_in_dim3A_12 = arith.constant 4 : i32
    %broadcast_in_dim3A_13 = vector.broadcast %broadcast_in_dim3A_12 : i32 to vector<16xi32>
    %scan3A = arith.constant 0 : i32
    %scan3A_14 = arith.constant 0 : i32
    %scan3A_15 = arith.constant 25 : i32
    %scan3A_16 = arith.addi %scan3A_14, %scan3A_15 : i32
    %scan3A_17 = arith.constant 1 : i32
    scf.for %scan3A_19 = %scan3A_14 to %scan3A_16 step %scan3A_17  : i32 {
      %mul3A_20 = arith.constant 800 : i32
      %mul3A_21 = arith.muli %scan3A_19, %mul3A_20 : i32
      %add3A_22 = arith.addi %mul3A_2, %mul3A_21 : i32
      %dma_start3A = tpu.memref_slice %arg2[%add3A_22] : memref<640000xi32, #tpu.memory_space<hbm>> -> memref<800xi32, #tpu.memory_space<hbm>>
      %dma_start3A_23 = tpu.memref_slice %arg2[%add3A_22] : memref<640000xi32, #tpu.memory_space<hbm>> -> memref<800xi32, #tpu.memory_space<hbm>>
      tpu.enqueue_dma source(%dma_start3A_23 : memref<800xi32, #tpu.memory_space<hbm>>) target(%arg20 : memref<800xi32, #tpu.memory_space<vmem>>) target_semaphore(%arg33 : memref<!tpu.dma_semaphore, #tpu.memory_space<semaphore_mem>>)
      %dma_start3A_24 = tpu.memref_slice %arg3[%add3A_22] : memref<640000xi32, #tpu.memory_space<hbm>> -> memref<800xi32, #tpu.memory_space<hbm>>
      %dma_start3A_25 = tpu.memref_slice %arg3[%add3A_22] : memref<640000xi32, #tpu.memory_space<hbm>> -> memref<800xi32, #tpu.memory_space<hbm>>
      tpu.enqueue_dma source(%dma_start3A_25 : memref<800xi32, #tpu.memory_space<hbm>>) target(%arg21 : memref<800xi32, #tpu.memory_space<vmem>>) target_semaphore(%arg33 : memref<!tpu.dma_semaphore, #tpu.memory_space<semaphore_mem>>)
      %dma_start3A_26 = tpu.memref_slice %arg4[%add3A_22] : memref<640000xi32, #tpu.memory_space<hbm>> -> memref<800xi32, #tpu.memory_space<hbm>>
      %dma_start3A_27 = tpu.memref_slice %arg4[%add3A_22] : memref<640000xi32, #tpu.memory_space<hbm>> -> memref<800xi32, #tpu.memory_space<hbm>>
      tpu.enqueue_dma source(%dma_start3A_27 : memref<800xi32, #tpu.memory_space<hbm>>) target(%arg22 : memref<800xi32, #tpu.memory_space<vmem>>) target_semaphore(%arg33 : memref<!tpu.dma_semaphore, #tpu.memory_space<semaphore_mem>>)
      %dma_wait3A = tpu.memref_slice %arg2[%add3A_22] : memref<640000xi32, #tpu.memory_space<hbm>> -> memref<800xi32, #tpu.memory_space<hbm>>
      %dma_wait3A_28 = tpu.memref_slice %arg2[%add3A_22] : memref<640000xi32, #tpu.memory_space<hbm>> -> memref<800xi32, #tpu.memory_space<hbm>>
      tpu.wait_dma2 semaphore(%arg33 : memref<!tpu.dma_semaphore, #tpu.memory_space<semaphore_mem>>) src(%dma_wait3A_28 : memref<800xi32, #tpu.memory_space<hbm>>) dst(%arg20 : memref<800xi32, #tpu.memory_space<vmem>>)
      %dma_wait3A_29 = tpu.memref_slice %arg3[%add3A_22] : memref<640000xi32, #tpu.memory_space<hbm>> -> memref<800xi32, #tpu.memory_space<hbm>>
      %dma_wait3A_30 = tpu.memref_slice %arg3[%add3A_22] : memref<640000xi32, #tpu.memory_space<hbm>> -> memref<800xi32, #tpu.memory_space<hbm>>
      tpu.wait_dma2 semaphore(%arg33 : memref<!tpu.dma_semaphore, #tpu.memory_space<semaphore_mem>>) src(%dma_wait3A_30 : memref<800xi32, #tpu.memory_space<hbm>>) dst(%arg21 : memref<800xi32, #tpu.memory_space<vmem>>)
      %dma_wait3A_31 = tpu.memref_slice %arg4[%add3A_22] : memref<640000xi32, #tpu.memory_space<hbm>> -> memref<800xi32, #tpu.memory_space<hbm>>
      %dma_wait3A_32 = tpu.memref_slice %arg4[%add3A_22] : memref<640000xi32, #tpu.memory_space<hbm>> -> memref<800xi32, #tpu.memory_space<hbm>>
      tpu.wait_dma2 semaphore(%arg33 : memref<!tpu.dma_semaphore, #tpu.memory_space<semaphore_mem>>) src(%dma_wait3A_32 : memref<800xi32, #tpu.memory_space<hbm>>) dst(%arg22 : memref<800xi32, #tpu.memory_space<vmem>>)
      %dma_start3A_33 = arith.constant 0 : i32
      %dma_start3A_34 = tpu.memref_slice %arg5[%dma_start3A_33] : memref<640000xi32, #tpu.memory_space<hbm>> -> memref<640000xi32, #tpu.memory_space<hbm>>
      tpu.enqueue_indirect_dma source(%dma_start3A_34 : memref<640000xi32, #tpu.memory_space<hbm>>) target(%arg23 : memref<800xi32, #tpu.memory_space<vmem>>) offsets(%arg21 : memref<800xi32, #tpu.memory_space<vmem>>) semaphore(%arg33 : memref<!tpu.dma_semaphore, #tpu.memory_space<semaphore_mem>>)
      %dma_start3A_35 = arith.constant 0 : i32
      %dma_start3A_36 = tpu.memref_slice %arg5[%dma_start3A_35] : memref<640000xi32, #tpu.memory_space<hbm>> -> memref<640000xi32, #tpu.memory_space<hbm>>
      tpu.enqueue_indirect_dma source(%dma_start3A_36 : memref<640000xi32, #tpu.memory_space<hbm>>) target(%arg24 : memref<800xi32, #tpu.memory_space<vmem>>) offsets(%arg22 : memref<800xi32, #tpu.memory_space<vmem>>) semaphore(%arg33 : memref<!tpu.dma_semaphore, #tpu.memory_space<semaphore_mem>>)
      %dma_start3A_37 = arith.constant 0 : i32
      %dma_start3A_38 = tpu.memref_slice %arg6[%dma_start3A_37] : memref<10000xi32, #tpu.memory_space<hbm>> -> memref<10000xi32, #tpu.memory_space<hbm>>
      tpu.enqueue_indirect_dma source(%dma_start3A_38 : memref<10000xi32, #tpu.memory_space<hbm>>) target(%arg25 : memref<800xi32, #tpu.memory_space<vmem>>) offsets(%arg20 : memref<800xi32, #tpu.memory_space<vmem>>) semaphore(%arg33 : memref<!tpu.dma_semaphore, #tpu.memory_space<semaphore_mem>>)
      %dma_wait3A_39 = arith.constant 0 : i32
      %dma_wait3A_40 = tpu.memref_slice %arg5[%dma_wait3A_39] : memref<640000xi32, #tpu.memory_space<hbm>> -> memref<640000xi32, #tpu.memory_space<hbm>>
      tpu.wait_indirect_dma semaphore(%arg33 : memref<!tpu.dma_semaphore, #tpu.memory_space<semaphore_mem>>) src(%dma_wait3A_40 : memref<640000xi32, #tpu.memory_space<hbm>>) dst(%arg23 : memref<800xi32, #tpu.memory_space<vmem>>)
      %dma_wait3A_41 = arith.constant 0 : i32
      %dma_wait3A_42 = tpu.memref_slice %arg5[%dma_wait3A_41] : memref<640000xi32, #tpu.memory_space<hbm>> -> memref<640000xi32, #tpu.memory_space<hbm>>
      tpu.wait_indirect_dma semaphore(%arg33 : memref<!tpu.dma_semaphore, #tpu.memory_space<semaphore_mem>>) src(%dma_wait3A_42 : memref<640000xi32, #tpu.memory_space<hbm>>) dst(%arg24 : memref<800xi32, #tpu.memory_space<vmem>>)
      %dma_start3A_43 = arith.constant 0 : i32
      %dma_start3A_44 = tpu.memref_slice %arg6[%dma_start3A_43] : memref<10000xi32, #tpu.memory_space<hbm>> -> memref<10000xi32, #tpu.memory_space<hbm>>
      tpu.enqueue_indirect_dma source(%dma_start3A_44 : memref<10000xi32, #tpu.memory_space<hbm>>) target(%arg26 : memref<800xi32, #tpu.memory_space<vmem>>) offsets(%arg23 : memref<800xi32, #tpu.memory_space<vmem>>) semaphore(%arg33 : memref<!tpu.dma_semaphore, #tpu.memory_space<semaphore_mem>>)
      %dma_start3A_45 = arith.constant 0 : i32
      %dma_start3A_46 = tpu.memref_slice %arg6[%dma_start3A_45] : memref<10000xi32, #tpu.memory_space<hbm>> -> memref<10000xi32, #tpu.memory_space<hbm>>
      tpu.enqueue_indirect_dma source(%dma_start3A_46 : memref<10000xi32, #tpu.memory_space<hbm>>) target(%arg27 : memref<800xi32, #tpu.memory_space<vmem>>) offsets(%arg24 : memref<800xi32, #tpu.memory_space<vmem>>) semaphore(%arg33 : memref<!tpu.dma_semaphore, #tpu.memory_space<semaphore_mem>>)
      %dma_wait3A_47 = arith.constant 0 : i32
      %dma_wait3A_48 = tpu.memref_slice %arg6[%dma_wait3A_47] : memref<10000xi32, #tpu.memory_space<hbm>> -> memref<10000xi32, #tpu.memory_space<hbm>>
      tpu.wait_indirect_dma semaphore(%arg33 : memref<!tpu.dma_semaphore, #tpu.memory_space<semaphore_mem>>) src(%dma_wait3A_48 : memref<10000xi32, #tpu.memory_space<hbm>>) dst(%arg25 : memref<800xi32, #tpu.memory_space<vmem>>)
      %dma_wait3A_49 = arith.constant 0 : i32
      %dma_wait3A_50 = tpu.memref_slice %arg6[%dma_wait3A_49] : memref<10000xi32, #tpu.memory_space<hbm>> -> memref<10000xi32, #tpu.memory_space<hbm>>
      tpu.wait_indirect_dma semaphore(%arg33 : memref<!tpu.dma_semaphore, #tpu.memory_space<semaphore_mem>>) src(%dma_wait3A_50 : memref<10000xi32, #tpu.memory_space<hbm>>) dst(%arg26 : memref<800xi32, #tpu.memory_space<vmem>>)
      %dma_wait3A_51 = arith.constant 0 : i32
      %dma_wait3A_52 = tpu.memref_slice %arg6[%dma_wait3A_51] : memref<10000xi32, #tpu.memory_space<hbm>> -> memref<10000xi32, #tpu.memory_space<hbm>>
      tpu.wait_indirect_dma semaphore(%arg33 : memref<!tpu.dma_semaphore, #tpu.memory_space<semaphore_mem>>) src(%dma_wait3A_52 : memref<10000xi32, #tpu.memory_space<hbm>>) dst(%arg27 : memref<800xi32, #tpu.memory_space<vmem>>)
      %scan3A_53 = arith.constant 0 : i32
      %scan3A_54 = arith.constant 0 : i32
      %scan3A_55 = arith.constant 48 : i32
      %scan3A_56 = arith.addi %scan3A_54, %scan3A_55 : i32
      %scan3A_57 = arith.constant 4 : i32
      scf.for %scan3A_143 = %scan3A_54 to %scan3A_56 step %scan3A_57  : i32 {
        %mul3A_144 = arith.constant 16 : i32
        %mul3A_145 = arith.muli %scan3A_143, %mul3A_144 : i32
        %get3A_146 = arith.index_cast %mul3A_145 : i32 to index
        %get3A_147 = tpu.vector_load %arg26[%get3A_146] {strides = array<i32>} : memref<800xi32, #tpu.memory_space<vmem>>, vector<16xi32>,
        %mul3A_148 = arith.constant 100 : i32
        %mul3A_149 = vector.broadcast %mul3A_148 : i32 to vector<16xi32>
        %mul3A_150 = arith.muli %get3A_147, %mul3A_149 : vector<16xi32>
        %get3A_151 = arith.index_cast %mul3A_145 : i32 to index
        %get3A_152 = tpu.vector_load %arg27[%get3A_151] {strides = array<i32>} : memref<800xi32, #tpu.memory_space<vmem>>, vector<16xi32>,
        %add3A_153 = arith.addi %mul3A_150, %get3A_152 : vector<16xi32>
        %swap3A_154 = arith.index_cast %mul3A_145 : i32 to index
        %swap3A_155 = tpu.vector_load %arg28[%swap3A_154] {strides = array<i32>} : memref<800xi32, #tpu.memory_space<vmem>>, vector<16xi32>,
        tpu.vector_store %arg28[%swap3A_154], %add3A_153 {strides = array<i32>} : memref<800xi32, #tpu.memory_space<vmem>>, vector<16xi32>,
        %get3A_156 = arith.index_cast %mul3A_145 : i32 to index
        %get3A_157 = tpu.vector_load %arg25[%get3A_156] {strides = array<i32>} : memref<800xi32, #tpu.memory_space<vmem>>, vector<16xi32>,
        %mul3A_158 = arith.constant 100 : i32
        %mul3A_159 = vector.broadcast %mul3A_158 : i32 to vector<16xi32>
        %mul3A_160 = arith.muli %get3A_157, %mul3A_159 : vector<16xi32>
        %add3A_161 = arith.addi %mul3A_160, %get3A_147 : vector<16xi32>
        %swap3A_162 = arith.index_cast %mul3A_145 : i32 to index
        %swap3A_163 = tpu.vector_load %arg29[%swap3A_162] {strides = array<i32>} : memref<800xi32, #tpu.memory_space<vmem>>, vector<16xi32>,
        tpu.vector_store %arg29[%swap3A_162], %add3A_161 {strides = array<i32>} : memref<800xi32, #tpu.memory_space<vmem>>, vector<16xi32>,
        %scan3A_164 = arith.constant 1 : i32
        %scan3A_165 = arith.addi %scan3A_143, %scan3A_164 : i32
        %mul3A_166 = arith.constant 16 : i32
        %mul3A_167 = arith.muli %scan3A_165, %mul3A_166 : i32
        %get3A_168 = arith.index_cast %mul3A_167 : i32 to index
        %get3A_169 = tpu.vector_load %arg26[%get3A_168] {strides = array<i32>} : memref<800xi32, #tpu.memory_space<vmem>>, vector<16xi32>,
        %mul3A_170 = arith.constant 100 : i32
        %mul3A_171 = vector.broadcast %mul3A_170 : i32 to vector<16xi32>
        %mul3A_172 = arith.muli %get3A_169, %mul3A_171 : vector<16xi32>
        %get3A_173 = arith.index_cast %mul3A_167 : i32 to index
        %get3A_174 = tpu.vector_load %arg27[%get3A_173] {strides = array<i32>} : memref<800xi32, #tpu.memory_space<vmem>>, vector<16xi32>,
        %add3A_175 = arith.addi %mul3A_172, %get3A_174 : vector<16xi32>
        %swap3A_176 = arith.index_cast %mul3A_167 : i32 to index
        %swap3A_177 = tpu.vector_load %arg28[%swap3A_176] {strides = array<i32>} : memref<800xi32, #tpu.memory_space<vmem>>, vector<16xi32>,
        tpu.vector_store %arg28[%swap3A_176], %add3A_175 {strides = array<i32>} : memref<800xi32, #tpu.memory_space<vmem>>, vector<16xi32>,
        %get3A_178 = arith.index_cast %mul3A_167 : i32 to index
        %get3A_179 = tpu.vector_load %arg25[%get3A_178] {strides = array<i32>} : memref<800xi32, #tpu.memory_space<vmem>>, vector<16xi32>,
        %mul3A_180 = arith.constant 100 : i32
        %mul3A_181 = vector.broadcast %mul3A_180 : i32 to vector<16xi32>
        %mul3A_182 = arith.muli %get3A_179, %mul3A_181 : vector<16xi32>
        %add3A_183 = arith.addi %mul3A_182, %get3A_169 : vector<16xi32>
        %swap3A_184 = arith.index_cast %mul3A_167 : i32 to index
        %swap3A_185 = tpu.vector_load %arg29[%swap3A_184] {strides = array<i32>} : memref<800xi32, #tpu.memory_space<vmem>>, vector<16xi32>,
        tpu.vector_store %arg29[%swap3A_184], %add3A_183 {strides = array<i32>} : memref<800xi32, #tpu.memory_space<vmem>>, vector<16xi32>,
        %scan3A_186 = arith.constant 2 : i32
        %scan3A_187 = arith.addi %scan3A_143, %scan3A_186 : i32
        %mul3A_188 = arith.constant 16 : i32
        %mul3A_189 = arith.muli %scan3A_187, %mul3A_188 : i32
        %get3A_190 = arith.index_cast %mul3A_189 : i32 to index
        %get3A_191 = tpu.vector_load %arg26[%get3A_190] {strides = array<i32>} : memref<800xi32, #tpu.memory_space<vmem>>, vector<16xi32>,
        %mul3A_192 = arith.constant 100 : i32
        %mul3A_193 = vector.broadcast %mul3A_192 : i32 to vector<16xi32>
        %mul3A_194 = arith.muli %get3A_191, %mul3A_193 : vector<16xi32>
        %get3A_195 = arith.index_cast %mul3A_189 : i32 to index
        %get3A_196 = tpu.vector_load %arg27[%get3A_195] {strides = array<i32>} : memref<800xi32, #tpu.memory_space<vmem>>, vector<16xi32>,
        %add3A_197 = arith.addi %mul3A_194, %get3A_196 : vector<16xi32>
        %swap3A_198 = arith.index_cast %mul3A_189 : i32 to index
        %swap3A_199 = tpu.vector_load %arg28[%swap3A_198] {strides = array<i32>} : memref<800xi32, #tpu.memory_space<vmem>>, vector<16xi32>,
        tpu.vector_store %arg28[%swap3A_198], %add3A_197 {strides = array<i32>} : memref<800xi32, #tpu.memory_space<vmem>>, vector<16xi32>,
        %get3A_200 = arith.index_cast %mul3A_189 : i32 to index
        %get3A_201 = tpu.vector_load %arg25[%get3A_200] {strides = array<i32>} : memref<800xi32, #tpu.memory_space<vmem>>, vector<16xi32>,
        %mul3A_202 = arith.constant 100 : i32
        %mul3A_203 = vector.broadcast %mul3A_202 : i32 to vector<16xi32>
        %mul3A_204 = arith.muli %get3A_201, %mul3A_203 : vector<16xi32>
        %add3A_205 = arith.addi %mul3A_204, %get3A_191 : vector<16xi32>
        %swap3A_206 = arith.index_cast %mul3A_189 : i32 to index
        %swap3A_207 = tpu.vector_load %arg29[%swap3A_206] {strides = array<i32>} : memref<800xi32, #tpu.memory_space<vmem>>, vector<16xi32>,
        tpu.vector_store %arg29[%swap3A_206], %add3A_205 {strides = array<i32>} : memref<800xi32, #tpu.memory_space<vmem>>, vector<16xi32>,
        %scan3A_208 = arith.constant 3 : i32
        %scan3A_209 = arith.addi %scan3A_143, %scan3A_208 : i32
        %mul3A_210 = arith.constant 16 : i32
        %mul3A_211 = arith.muli %scan3A_209, %mul3A_210 : i32
        %get3A_212 = arith.index_cast %mul3A_211 : i32 to index
        %get3A_213 = tpu.vector_load %arg26[%get3A_212] {strides = array<i32>} : memref<800xi32, #tpu.memory_space<vmem>>, vector<16xi32>,
        %mul3A_214 = arith.constant 100 : i32
        %mul3A_215 = vector.broadcast %mul3A_214 : i32 to vector<16xi32>
        %mul3A_216 = arith.muli %get3A_213, %mul3A_215 : vector<16xi32>
        %get3A_217 = arith.index_cast %mul3A_211 : i32 to index
        %get3A_218 = tpu.vector_load %arg27[%get3A_217] {strides = array<i32>} : memref<800xi32, #tpu.memory_space<vmem>>, vector<16xi32>,
        %add3A_219 = arith.addi %mul3A_216, %get3A_218 : vector<16xi32>
        %swap3A_220 = arith.index_cast %mul3A_211 : i32 to index
        %swap3A_221 = tpu.vector_load %arg28[%swap3A_220] {strides = array<i32>} : memref<800xi32, #tpu.memory_space<vmem>>, vector<16xi32>,
        tpu.vector_store %arg28[%swap3A_220], %add3A_219 {strides = array<i32>} : memref<800xi32, #tpu.memory_space<vmem>>, vector<16xi32>,
        %get3A_222 = arith.index_cast %mul3A_211 : i32 to index
        %get3A_223 = tpu.vector_load %arg25[%get3A_222] {strides = array<i32>} : memref<800xi32, #tpu.memory_space<vmem>>, vector<16xi32>,
        %mul3A_224 = arith.constant 100 : i32
        %mul3A_225 = vector.broadcast %mul3A_224 : i32 to vector<16xi32>
        %mul3A_226 = arith.muli %get3A_223, %mul3A_225 : vector<16xi32>
        %add3A_227 = arith.addi %mul3A_226, %get3A_213 : vector<16xi32>
        %swap3A_228 = arith.index_cast %mul3A_211 : i32 to index
        %swap3A_229 = tpu.vector_load %arg29[%swap3A_228] {strides = array<i32>} : memref<800xi32, #tpu.memory_space<vmem>>, vector<16xi32>,
        tpu.vector_store %arg29[%swap3A_228], %add3A_227 {strides = array<i32>} : memref<800xi32, #tpu.memory_space<vmem>>, vector<16xi32>,
      }
      %scan3A_58 = arith.constant 48 : i32
      %scan3A_59 = arith.addi %scan3A_54, %scan3A_58 : i32
      %mul3A_60 = arith.constant 16 : i32
      %mul3A_61 = arith.muli %scan3A_59, %mul3A_60 : i32
      %get3A = arith.index_cast %mul3A_61 : i32 to index
      %get3A_62 = tpu.vector_load %arg26[%get3A] {strides = array<i32>} : memref<800xi32, #tpu.memory_space<vmem>>, vector<16xi32>,
      %mul3A_63 = arith.constant 100 : i32
      %mul3A_64 = vector.broadcast %mul3A_63 : i32 to vector<16xi32>
      %mul3A_65 = arith.muli %get3A_62, %mul3A_64 : vector<16xi32>
      %get3A_66 = arith.index_cast %mul3A_61 : i32 to index
      %get3A_67 = tpu.vector_load %arg27[%get3A_66] {strides = array<i32>} : memref<800xi32, #tpu.memory_space<vmem>>, vector<16xi32>,
      %add3A_68 = arith.addi %mul3A_65, %get3A_67 : vector<16xi32>
      %swap3A = arith.index_cast %mul3A_61 : i32 to index
      %swap3A_69 = tpu.vector_load %arg28[%swap3A] {strides = array<i32>} : memref<800xi32, #tpu.memory_space<vmem>>, vector<16xi32>,
      tpu.vector_store %arg28[%swap3A], %add3A_68 {strides = array<i32>} : memref<800xi32, #tpu.memory_space<vmem>>, vector<16xi32>,
      %get3A_70 = arith.index_cast %mul3A_61 : i32 to index
      %get3A_71 = tpu.vector_load %arg25[%get3A_70] {strides = array<i32>} : memref<800xi32, #tpu.memory_space<vmem>>, vector<16xi32>,
      %mul3A_72 = arith.constant 100 : i32
      %mul3A_73 = vector.broadcast %mul3A_72 : i32 to vector<16xi32>
      %mul3A_74 = arith.muli %get3A_71, %mul3A_73 : vector<16xi32>
      %add3A_75 = arith.addi %mul3A_74, %get3A_62 : vector<16xi32>
      %swap3A_76 = arith.index_cast %mul3A_61 : i32 to index
      %swap3A_77 = tpu.vector_load %arg29[%swap3A_76] {strides = array<i32>} : memref<800xi32, #tpu.memory_space<vmem>>, vector<16xi32>,
      tpu.vector_store %arg29[%swap3A_76], %add3A_75 {strides = array<i32>} : memref<800xi32, #tpu.memory_space<vmem>>, vector<16xi32>,
      %scan3A_78 = arith.constant 49 : i32
      %scan3A_79 = arith.addi %scan3A_54, %scan3A_78 : i32
      %mul3A_80 = arith.constant 16 : i32
      %mul3A_81 = arith.muli %scan3A_79, %mul3A_80 : i32
      %get3A_82 = arith.index_cast %mul3A_81 : i32 to index
      %get3A_83 = tpu.vector_load %arg26[%get3A_82] {strides = array<i32>} : memref<800xi32, #tpu.memory_space<vmem>>, vector<16xi32>,
      %mul3A_84 = arith.constant 100 : i32
      %mul3A_85 = vector.broadcast %mul3A_84 : i32 to vector<16xi32>
      %mul3A_86 = arith.muli %get3A_83, %mul3A_85 : vector<16xi32>
      %get3A_87 = arith.index_cast %mul3A_81 : i32 to index
      %get3A_88 = tpu.vector_load %arg27[%get3A_87] {strides = array<i32>} : memref<800xi32, #tpu.memory_space<vmem>>, vector<16xi32>,
      %add3A_89 = arith.addi %mul3A_86, %get3A_88 : vector<16xi32>
      %swap3A_90 = arith.index_cast %mul3A_81 : i32 to index
      %swap3A_91 = tpu.vector_load %arg28[%swap3A_90] {strides = array<i32>} : memref<800xi32, #tpu.memory_space<vmem>>, vector<16xi32>,
      tpu.vector_store %arg28[%swap3A_90], %add3A_89 {strides = array<i32>} : memref<800xi32, #tpu.memory_space<vmem>>, vector<16xi32>,
      %get3A_92 = arith.index_cast %mul3A_81 : i32 to index
      %get3A_93 = tpu.vector_load %arg25[%get3A_92] {strides = array<i32>} : memref<800xi32, #tpu.memory_space<vmem>>, vector<16xi32>,
      %mul3A_94 = arith.constant 100 : i32
      %mul3A_95 = vector.broadcast %mul3A_94 : i32 to vector<16xi32>
      %mul3A_96 = arith.muli %get3A_93, %mul3A_95 : vector<16xi32>
      %add3A_97 = arith.addi %mul3A_96, %get3A_83 : vector<16xi32>
      %swap3A_98 = arith.index_cast %mul3A_81 : i32 to index
      %swap3A_99 = tpu.vector_load %arg29[%swap3A_98] {strides = array<i32>} : memref<800xi32, #tpu.memory_space<vmem>>, vector<16xi32>,
      tpu.vector_store %arg29[%swap3A_98], %add3A_97 {strides = array<i32>} : memref<800xi32, #tpu.memory_space<vmem>>, vector<16xi32>,
      %scan3A_100 = arith.constant 50 : i32
      %dma_start3A_101 = arith.constant 0 : i32
      %dma_start3A_102 = arith.constant 0 : i32
      %dma_start3A_103 = tpu.memref_slice %arg14[%dma_start3A_101, %dma_start3A_102] : memref<10000x24xf32, #tpu.memory_space<vmem_shared>> -> memref<10000x24xf32, #tpu.memory_space<vmem_shared>>
      tpu.enqueue_indirect_dma source(%dma_start3A_103 : memref<10000x24xf32, #tpu.memory_space<vmem_shared>>) target(%arg31 : memref<800x24xf32, #tpu.memory_space<vmem>>) offsets(%arg29 : memref<800xi32, #tpu.memory_space<vmem>>) semaphore(%arg33 : memref<!tpu.dma_semaphore, #tpu.memory_space<semaphore_mem>>)
      %dma_start3A_104 = arith.constant 0 : i32
      %dma_start3A_105 = arith.constant 0 : i32
      %dma_start3A_106 = tpu.memref_slice %arg15[%dma_start3A_104, %dma_start3A_105] : memref<10000x40xf32, #tpu.memory_space<vmem_shared>> -> memref<10000x40xf32, #tpu.memory_space<vmem_shared>>
      tpu.enqueue_indirect_dma source(%dma_start3A_106 : memref<10000x40xf32, #tpu.memory_space<vmem_shared>>) target(%arg32 : memref<800x40xf32, #tpu.memory_space<vmem>>) offsets(%arg28 : memref<800xi32, #tpu.memory_space<vmem>>) semaphore(%arg33 : memref<!tpu.dma_semaphore, #tpu.memory_space<semaphore_mem>>)
      %scan3A_107 = arith.constant 0 : i32
      %scan3A_108 = arith.constant 0 : i32
      %scan3A_109 = arith.constant 50 : i32
      %scan3A_110 = arith.addi %scan3A_108, %scan3A_109 : i32
      %scan3A_111 = arith.constant 2 : i32
      scf.for %scan3A_143 = %scan3A_108 to %scan3A_110 step %scan3A_111  : i32 {
        %iota3A = tpu.iota {dimensions = array<i32: 0>} : vector<16xi32>
        %mul3A_144 = arith.constant 16 : i32
        %mul3A_145 = arith.muli %scan3A_143, %mul3A_144 : i32
        %add3A_146 = vector.broadcast %mul3A_145 : i32 to vector<16xi32>
        %add3A_147 = arith.addi %iota3A, %add3A_146 : vector<16xi32>
        %mul3A_148 = arith.constant 16 : i32
        %mul3A_149 = arith.muli %scan3A_143, %mul3A_148 : i32
        %get3A_150 = arith.index_cast %mul3A_149 : i32 to index
        %get3A_151 = tpu.vector_load %arg20[%get3A_150] {strides = array<i32>} : memref<800xi32, #tpu.memory_space<vmem>>, vector<16xi32>,
        %mul3A_152 = arith.constant 16 : i32
        %mul3A_153 = arith.muli %scan3A_143, %mul3A_152 : i32
        %get3A_154 = arith.index_cast %mul3A_153 : i32 to index
        %get3A_155 = tpu.vector_load %arg23[%get3A_154] {strides = array<i32>} : memref<800xi32, #tpu.memory_space<vmem>>, vector<16xi32>,
        %mul3A_156 = arith.constant 16 : i32
        %mul3A_157 = arith.muli %scan3A_143, %mul3A_156 : i32
        %get3A_158 = arith.index_cast %mul3A_157 : i32 to index
        %get3A_159 = tpu.vector_load %arg24[%get3A_158] {strides = array<i32>} : memref<800xi32, #tpu.memory_space<vmem>>, vector<16xi32>,
        %mul3A_160 = arith.constant 16 : i32
        %mul3A_161 = arith.muli %scan3A_143, %mul3A_160 : i32
        %get3A_162 = arith.index_cast %mul3A_161 : i32 to index
        %get3A_163 = tpu.vector_load %arg27[%get3A_162] {strides = array<i32>} : memref<800xi32, #tpu.memory_space<vmem>>, vector<16xi32>,
        %gather3A = tpu.vector_load_idx %arg16[%get3A_151] : memref<10000xf32, #tpu.memory_space<vmem>>[vector<16xi32>], vector<16xf32>,
        %gather3A_164 = tpu.vector_load_idx %arg16[%get3A_155] : memref<10000xf32, #tpu.memory_space<vmem>>[vector<16xi32>], vector<16xf32>,
        %gather3A_165 = tpu.vector_load_idx %arg16[%get3A_159] : memref<10000xf32, #tpu.memory_space<vmem>>[vector<16xi32>], vector<16xf32>,
        %gather3A_166 = tpu.vector_load_idx %arg17[%get3A_151] : memref<10000xf32, #tpu.memory_space<vmem>>[vector<16xi32>], vector<16xf32>,
        %gather3A_167 = tpu.vector_load_idx %arg17[%get3A_155] : memref<10000xf32, #tpu.memory_space<vmem>>[vector<16xi32>], vector<16xf32>,
        %gather3A_168 = tpu.vector_load_idx %arg17[%get3A_159] : memref<10000xf32, #tpu.memory_space<vmem>>[vector<16xi32>], vector<16xf32>,
        %gather3A_169 = tpu.vector_load_idx %arg18[%get3A_163] : memref<100xf32, #tpu.memory_space<vmem>>[vector<16xi32>], vector<16xf32>,
        %gather3A_170 = tpu.vector_load_idx %arg19[%get3A_163] : memref<100xf32, #tpu.memory_space<vmem>>[vector<16xi32>], vector<16xf32>,
        %sub3A = arith.subf %gather3A_164, %gather3A : vector<16xf32>
        %sub3A_171 = arith.subf %gather3A_165, %gather3A : vector<16xf32>
        %add3A_172 = arith.addf %sub3A, %sub3A_171 : vector<16xf32>
        %mul3A_173 = arith.constant 5.000000e-01 : f32
        %mul3A_174 = vector.broadcast %mul3A_173 : f32 to vector<16xf32>
        %mul3A_175 = arith.mulf %add3A_172, %mul3A_174 : vector<16xf32>
        %sub3A_176 = arith.subf %gather3A_167, %gather3A_166 : vector<16xf32>
        %sub3A_177 = arith.subf %gather3A_168, %gather3A_166 : vector<16xf32>
        tpu.vector_store_idx %arg30[%add3A_147, %broadcast_in_dim3A_5], %gather3A_169 : memref<800x8xf32, #tpu.memory_space<vmem>>[vector<16xi32>, vector<16xi32>], vector<16xf32>,
        tpu.vector_store_idx %arg30[%add3A_147, %broadcast_in_dim3A_7], %gather3A_170 : memref<800x8xf32, #tpu.memory_space<vmem>>[vector<16xi32>, vector<16xi32>], vector<16xf32>,
        tpu.vector_store_idx %arg30[%add3A_147, %broadcast_in_dim3A_9], %mul3A_175 : memref<800x8xf32, #tpu.memory_space<vmem>>[vector<16xi32>, vector<16xi32>], vector<16xf32>,
        tpu.vector_store_idx %arg30[%add3A_147, %broadcast_in_dim3A_11], %sub3A_176 : memref<800x8xf32, #tpu.memory_space<vmem>>[vector<16xi32>, vector<16xi32>], vector<16xf32>,
        tpu.vector_store_idx %arg30[%add3A_147, %broadcast_in_dim3A_13], %sub3A_177 : memref<800x8xf32, #tpu.memory_space<vmem>>[vector<16xi32>, vector<16xi32>], vector<16xf32>,
        %scan3A_178 = arith.constant 1 : i32
        %scan3A_179 = arith.addi %scan3A_143, %scan3A_178 : i32
        %iota3A_180 = tpu.iota {dimensions = array<i32: 0>} : vector<16xi32>
        %mul3A_181 = arith.constant 16 : i32
        %mul3A_182 = arith.muli %scan3A_179, %mul3A_181 : i32
        %add3A_183 = vector.broadcast %mul3A_182 : i32 to vector<16xi32>
        %add3A_184 = arith.addi %iota3A_180, %add3A_183 : vector<16xi32>
        %mul3A_185 = arith.constant 16 : i32
        %mul3A_186 = arith.muli %scan3A_179, %mul3A_185 : i32
        %get3A_187 = arith.index_cast %mul3A_186 : i32 to index
        %get3A_188 = tpu.vector_load %arg20[%get3A_187] {strides = array<i32>} : memref<800xi32, #tpu.memory_space<vmem>>, vector<16xi32>,
        %mul3A_189 = arith.constant 16 : i32
        %mul3A_190 = arith.muli %scan3A_179, %mul3A_189 : i32
        %get3A_191 = arith.index_cast %mul3A_190 : i32 to index
        %get3A_192 = tpu.vector_load %arg23[%get3A_191] {strides = array<i32>} : memref<800xi32, #tpu.memory_space<vmem>>, vector<16xi32>,
        %mul3A_193 = arith.constant 16 : i32
        %mul3A_194 = arith.muli %scan3A_179, %mul3A_193 : i32
        %get3A_195 = arith.index_cast %mul3A_194 : i32 to index
        %get3A_196 = tpu.vector_load %arg24[%get3A_195] {strides = array<i32>} : memref<800xi32, #tpu.memory_space<vmem>>, vector<16xi32>,
        %mul3A_197 = arith.constant 16 : i32
        %mul3A_198 = arith.muli %scan3A_179, %mul3A_197 : i32
        %get3A_199 = arith.index_cast %mul3A_198 : i32 to index
        %get3A_200 = tpu.vector_load %arg27[%get3A_199] {strides = array<i32>} : memref<800xi32, #tpu.memory_space<vmem>>, vector<16xi32>,
        %gather3A_201 = tpu.vector_load_idx %arg16[%get3A_188] : memref<10000xf32, #tpu.memory_space<vmem>>[vector<16xi32>], vector<16xf32>,
        %gather3A_202 = tpu.vector_load_idx %arg16[%get3A_192] : memref<10000xf32, #tpu.memory_space<vmem>>[vector<16xi32>], vector<16xf32>,
        %gather3A_203 = tpu.vector_load_idx %arg16[%get3A_196] : memref<10000xf32, #tpu.memory_space<vmem>>[vector<16xi32>], vector<16xf32>,
        %gather3A_204 = tpu.vector_load_idx %arg17[%get3A_188] : memref<10000xf32, #tpu.memory_space<vmem>>[vector<16xi32>], vector<16xf32>,
        %gather3A_205 = tpu.vector_load_idx %arg17[%get3A_192] : memref<10000xf32, #tpu.memory_space<vmem>>[vector<16xi32>], vector<16xf32>,
        %gather3A_206 = tpu.vector_load_idx %arg17[%get3A_196] : memref<10000xf32, #tpu.memory_space<vmem>>[vector<16xi32>], vector<16xf32>,
        %gather3A_207 = tpu.vector_load_idx %arg18[%get3A_200] : memref<100xf32, #tpu.memory_space<vmem>>[vector<16xi32>], vector<16xf32>,
        %gather3A_208 = tpu.vector_load_idx %arg19[%get3A_200] : memref<100xf32, #tpu.memory_space<vmem>>[vector<16xi32>], vector<16xf32>,
        %sub3A_209 = arith.subf %gather3A_202, %gather3A_201 : vector<16xf32>
        %sub3A_210 = arith.subf %gather3A_203, %gather3A_201 : vector<16xf32>
        %add3A_211 = arith.addf %sub3A_209, %sub3A_210 : vector<16xf32>
        %mul3A_212 = arith.constant 5.000000e-01 : f32
        %mul3A_213 = vector.broadcast %mul3A_212 : f32 to vector<16xf32>
        %mul3A_214 = arith.mulf %add3A_211, %mul3A_213 : vector<16xf32>
        %sub3A_215 = arith.subf %gather3A_205, %gather3A_204 : vector<16xf32>
        %sub3A_216 = arith.subf %gather3A_206, %gather3A_204 : vector<16xf32>
        tpu.vector_store_idx %arg30[%add3A_184, %broadcast_in_dim3A_5], %gather3A_207 : memref<800x8xf32, #tpu.memory_space<vmem>>[vector<16xi32>, vector<16xi32>], vector<16xf32>,
        tpu.vector_store_idx %arg30[%add3A_184, %broadcast_in_dim3A_7], %gather3A_208 : memref<800x8xf32, #tpu.memory_space<vmem>>[vector<16xi32>, vector<16xi32>], vector<16xf32>,
        tpu.vector_store_idx %arg30[%add3A_184, %broadcast_in_dim3A_9], %mul3A_214 : memref<800x8xf32, #tpu.memory_space<vmem>>[vector<16xi32>, vector<16xi32>], vector<16xf32>,
        tpu.vector_store_idx %arg30[%add3A_184, %broadcast_in_dim3A_11], %sub3A_215 : memref<800x8xf32, #tpu.memory_space<vmem>>[vector<16xi32>, vector<16xi32>], vector<16xf32>,
        tpu.vector_store_idx %arg30[%add3A_184, %broadcast_in_dim3A_13], %sub3A_216 : memref<800x8xf32, #tpu.memory_space<vmem>>[vector<16xi32>, vector<16xi32>], vector<16xf32>,
      }
      %scan3A_112 = arith.constant 50 : i32
      %dma_wait3A_113 = arith.constant 0 : i32
      %dma_wait3A_114 = arith.constant 0 : i32
      %dma_wait3A_115 = tpu.memref_slice %arg14[%dma_wait3A_113, %dma_wait3A_114] : memref<10000x24xf32, #tpu.memory_space<vmem_shared>> -> memref<10000x24xf32, #tpu.memory_space<vmem_shared>>
      tpu.wait_indirect_dma semaphore(%arg33 : memref<!tpu.dma_semaphore, #tpu.memory_space<semaphore_mem>>) src(%dma_wait3A_115 : memref<10000x24xf32, #tpu.memory_space<vmem_shared>>) dst(%arg31 : memref<800x24xf32, #tpu.memory_space<vmem>>)
      %dma_wait3A_116 = arith.constant 0 : i32
      %dma_wait3A_117 = arith.constant 0 : i32
      %dma_wait3A_118 = tpu.memref_slice %arg15[%dma_wait3A_116, %dma_wait3A_117] : memref<10000x40xf32, #tpu.memory_space<vmem_shared>> -> memref<10000x40xf32, #tpu.memory_space<vmem_shared>>
      tpu.wait_indirect_dma semaphore(%arg33 : memref<!tpu.dma_semaphore, #tpu.memory_space<semaphore_mem>>) src(%dma_wait3A_118 : memref<10000x40xf32, #tpu.memory_space<vmem_shared>>) dst(%arg32 : memref<800x40xf32, #tpu.memory_space<vmem>>)
      %dma_start3A_119 = arith.constant 64 : i32
      %dma_start3A_120 = tpu.memref_slice %arg13[%add3A_22, %dma_start3A_119] : memref<640000x72xf32, #tpu.memory_space<hbm>> -> memref<800x8xf32, #tpu.memory_space<hbm>>
      %dma_start3A_121 = arith.constant 64 : i32
      %dma_start3A_122 = tpu.memref_slice %arg13[%add3A_22, %dma_start3A_121] : memref<640000x72xf32, #tpu.memory_space<hbm>> -> memref<800x8xf32, #tpu.memory_space<hbm>>
      tpu.enqueue_dma source(%arg30 : memref<800x8xf32, #tpu.memory_space<vmem>>) target(%dma_start3A_122 : memref<800x8xf32, #tpu.memory_space<hbm>>) target_semaphore(%arg33 : memref<!tpu.dma_semaphore, #tpu.memory_space<semaphore_mem>>)
      %dma_start3A_123 = arith.constant 0 : i32
      %dma_start3A_124 = tpu.memref_slice %arg13[%add3A_22, %dma_start3A_123] : memref<640000x72xf32, #tpu.memory_space<hbm>> -> memref<800x24xf32, #tpu.memory_space<hbm>>
      %dma_start3A_125 = arith.constant 0 : i32
      %dma_start3A_126 = tpu.memref_slice %arg13[%add3A_22, %dma_start3A_125] : memref<640000x72xf32, #tpu.memory_space<hbm>> -> memref<800x24xf32, #tpu.memory_space<hbm>>
      tpu.enqueue_dma source(%arg31 : memref<800x24xf32, #tpu.memory_space<vmem>>) target(%dma_start3A_126 : memref<800x24xf32, #tpu.memory_space<hbm>>) target_semaphore(%arg33 : memref<!tpu.dma_semaphore, #tpu.memory_space<semaphore_mem>>)
      %dma_start3A_127 = arith.constant 24 : i32
      %dma_start3A_128 = tpu.memref_slice %arg13[%add3A_22, %dma_start3A_127] : memref<640000x72xf32, #tpu.memory_space<hbm>> -> memref<800x40xf32, #tpu.memory_space<hbm>>
      %dma_start3A_129 = arith.constant 24 : i32
      %dma_start3A_130 = tpu.memref_slice %arg13[%add3A_22, %dma_start3A_129] : memref<640000x72xf32, #tpu.memory_space<hbm>> -> memref<800x40xf32, #tpu.memory_space<hbm>>
      tpu.enqueue_dma source(%arg32 : memref<800x40xf32, #tpu.memory_space<vmem>>) target(%dma_start3A_130 : memref<800x40xf32, #tpu.memory_space<hbm>>) target_semaphore(%arg33 : memref<!tpu.dma_semaphore, #tpu.memory_space<semaphore_mem>>)
      %dma_wait3A_131 = arith.constant 64 : i32
      %dma_wait3A_132 = tpu.memref_slice %arg13[%add3A_22, %dma_wait3A_131] : memref<640000x72xf32, #tpu.memory_space<hbm>> -> memref<800x8xf32, #tpu.memory_space<hbm>>
      %dma_wait3A_133 = arith.constant 64 : i32
      %dma_wait3A_134 = tpu.memref_slice %arg13[%add3A_22, %dma_wait3A_133] : memref<640000x72xf32, #tpu.memory_space<hbm>> -> memref<800x8xf32, #tpu.memory_space<hbm>>
      tpu.wait_dma2 semaphore(%arg33 : memref<!tpu.dma_semaphore, #tpu.memory_space<semaphore_mem>>) src(%arg30 : memref<800x8xf32, #tpu.memory_space<vmem>>) dst(%dma_wait3A_134 : memref<800x8xf32, #tpu.memory_space<hbm>>)
      %dma_wait3A_135 = arith.constant 0 : i32
      %dma_wait3A_136 = tpu.memref_slice %arg13[%add3A_22, %dma_wait3A_135] : memref<640000x72xf32, #tpu.memory_space<hbm>> -> memref<800x24xf32, #tpu.memory_space<hbm>>
      %dma_wait3A_137 = arith.constant 0 : i32
      %dma_wait3A_138 = tpu.memref_slice %arg13[%add3A_22, %dma_wait3A_137] : memref<640000x72xf32, #tpu.memory_space<hbm>> -> memref<800x24xf32, #tpu.memory_space<hbm>>
      tpu.wait_dma2 semaphore(%arg33 : memref<!tpu.dma_semaphore, #tpu.memory_space<semaphore_mem>>) src(%arg31 : memref<800x24xf32, #tpu.memory_space<vmem>>) dst(%dma_wait3A_138 : memref<800x24xf32, #tpu.memory_space<hbm>>)
      %dma_wait3A_139 = arith.constant 24 : i32
      %dma_wait3A_140 = tpu.memref_slice %arg13[%add3A_22, %dma_wait3A_139] : memref<640000x72xf32, #tpu.memory_space<hbm>> -> memref<800x40xf32, #tpu.memory_space<hbm>>
      %dma_wait3A_141 = arith.constant 24 : i32
      %dma_wait3A_142 = tpu.memref_slice %arg13[%add3A_22, %dma_wait3A_141] : memref<640000x72xf32, #tpu.memory_space<hbm>> -> memref<800x40xf32, #tpu.memory_space<hbm>>
      tpu.wait_dma2 semaphore(%arg33 : memref<!tpu.dma_semaphore, #tpu.memory_space<semaphore_mem>>) src(%arg32 : memref<800x40xf32, #tpu.memory_space<vmem>>) dst(%dma_wait3A_142 : memref<800x40xf32, #tpu.memory_space<hbm>>)
    }
    %scan3A_18 = arith.constant 25 : i32
    return
  }
}

</mosaic_0001>

<sc_bundles>
// kernel: kernel.3.cloned.1.call-start
scs
__scs_entry_jumppad:
0x0: {  	(pc) =	sbr.rel $0x88, $3  }
0x1: {  	(tag) =	ssettag $0x0;
	lr =	simm.s32 $0x1  }
0x2: {  	[smem:$0x3F9B] =	sst lr;
	_ =	strace $0xD0000000  }
0x3: {  	_ = 	snop  }
0x4: {  	_ = 	snop  }
0x5: {  	_ = 	snop  }
0x6: {  	_ = 	snop  }
0x7: {  	_ = 	snop  }
__scs_overlays_trampoline_lowered:
0x8: {  	[smem:$0x3FAA] =	sst s0  }
0x9: {  	[smem:$0x3FAB] =	sst s1  }
0xa: {  	[smem:$0x3FAC] =	sst s2  }
0xb: {  	[smem:$0x3FAD] =	sst s3  }
0xc: {  	[smem:$0x3FAE] =	sst s4  }
0xd: {  	[smem:$0x3FAF] =	sst s5  }
0xe: {  	[smem:$0x3FB0] =	sst s6  }
0xf: {  	[smem:$0x3FB1] =	sst s7  }
0x10: {  	[smem:$0x3FB2] =	sst s8  }
0x11: {  	[smem:$0x3FB3] =	sst s9;
	s0 =	simm.s32 @!p0 $0x0  }
0x12: {  	s1 =	sld [smem:$0x3F99];
	s0 =	simm.s32 @p0 $0x1  }
0x13: {  	[smem:$0x3FB4] =	sst s0;
	s0 =	simm.s32 @!p1 $0x0  }
0x14: {  	s2 =	sld [smem:$0x3F98];
	s0 =	simm.s32 @p1 $0x1  }
0x15: {  	[smem:$0x3FB5] =	sst s0;
	s0 =	simm.s32 @!p2 $0x0  }
0x16: {  	s3 =	sld [smem:$0x3FDB];
	s0 =	simm.s32 @p2 $0x1  }
0x17: {  	s4 =	simm.s32 $0x1BF5;
	[smem:$0x3FB7] =	sst s0  }
0x18: {  	s0 =	sld [smem:$0x3F9A];
	_ =	swait.ge [sflag:s4], $0x0  }
0x19: {  	s7 =	sld [smem:$0x3F9B]  }
0x1a: {  	s8 =	sadd.s32 $0xFFFFE003, lr  }
0x1b: {  	s9 =	sadd.s32 $0xFFFFFEF7, lr;
	s5 =	simm.s32 $0xFFFFFFFF;
	p2 =	slt.u32 s8, $0xFFFFF086  }
0x1c: {  	p1 =	slt.u32 s9, $0xF7A;
	s5 =	simm.s32 @!p2 $0x0  }
0x1d: {  	s5 =	simm.s32 @p1 $0x1;
	p0 =	seq.s32 s7, s2  }
0x1e: {  	s7 =	smul.u32 @!p0 $0xF7A, s2;
	p2 =	seq.s32 @!p0 s5, $0x0  }
0x1f: {  	s9 =	smul.u32 $0xF7A, s1;
	s8 =	simm.s32 @!p0 $0x1BF5;
	p2 =	por !p2, p0  }
0x20: {  	[sflag:s8] =	ssyncset.s32 @!p0 $0xFFFFF086;
	s6 =	sadd.s32 @!p0 s3, s7;
	s7 =	simm.s32 @!p0 $0x108  }
0x21: {  	s3 =	sadd.s32 s3, s9;
	s6 =	sadd.s32 @!p0 $0x88, s6;
	s7 =	simm.s32 @p2 $0x1082  }
0x22: {  	[simem:s7], [sflag:s8] =	dma.local @!p0 [hbm:s6], $0xF7A  }
0x23: {  	s9 =	sor.u32 $0xD0000000, s2;
	s6 =	simm.s32 $0x108;
	_ =	swait.ge @!p0 [sflag:s8], $0x0  }
0x24: {  	s3 =	sadd.s32 $0x88, s3;
	s6 =	simm.s32 @!p1 $0x1082;
	[sflag:s4] =	ssyncset.s32 $0xFFFFF086  }
0x25: {  	[simem:s6], [sflag:s4] =	dma.local [hbm:s3], $0xF7A  }
0x26: {  	[smem:$0x3F9B] =	sst s1;
	(tag) =	ssettag s2;
	_ =	strace s9  }
0x27: {  	s1 =	sld [smem:$0x3FAB]  }
0x28: {  	s2 =	sld [smem:$0x3FAC]  }
0x29: {  	s4 =	sld [smem:$0x3FAE]  }
0x2a: {  	p0 =	seq.s32 s5, $0x0;
	s5 =	sld [smem:$0x3FAF]  }
0x2b: {  	s6 =	sld [smem:$0x3FB0]  }
0x2c: {  	s7 =	sld [smem:$0x3FB1]  }
0x2d: {  	s3 =	simm.s32 $0x108;
	s8 =	sld [smem:$0x3FB2]  }
0x2e: {  	s3 =	simm.s32 @!p0 $0x1082;
	s9 =	sld [smem:$0x3FB3]  }
0x2f: {  	lr =	sadd.s32 s0, s3;
	s0 =	sld [smem:$0x3FAA]  }
0x30: {  	s3 =	sld [smem:$0x3FAD]  }
0x31: {  	[smem:$0x3FB6] =	sst s10  }
0x32: {  	s10 =	sld [smem:$0x3FB4];
	_ =	sdelay $0x3  }
0x33: {  	p0 =	seq.s32 s10, $0x1;
	s10 =	sld [smem:$0x3FB6];
	_ =	sdelay $0x3  }
0x34: {  	[smem:$0x3FB6] =	sst s10  }
0x35: {  	s10 =	sld [smem:$0x3FB5];
	_ =	sdelay $0x3  }
0x36: {  	p1 =	seq.s32 s10, $0x1;
	s10 =	sld [smem:$0x3FB6];
	_ =	sdelay $0x3  }
0x37: {  	[smem:$0x3FB6] =	sst s10  }
0x38: {  	s10 =	sld [smem:$0x3FB7]  }
0x39: {  	_ = 	snop;
	(pc) =	sbr.ind lr, $3  }
0x3a: {  	_ = 	snop  }
0x3b: {  	_ = 	snop  }
0x3c: {  	p2 =	seq.s32 s10, $0x1;
	s10 =	sld [smem:$0x3FB6]  }
0x3d: {  	_ =	shalt  }
0x3e: {  	_ =	shalt  }
0x3f: {  	_ =	shalt  }
0x40: {  	_ =	shalt  }
0x41: {  	_ =	shalt  }
0x42: {  	_ =	shalt  }
0x43: {  	_ =	shalt  }
0x44: {  	_ =	shalt  }
0x45: {  	_ =	shalt  }
0x46: {  	_ =	shalt  }
0x47: {  	_ =	shalt  }
0x48: {  	_ =	shalt  }
0x49: {  	_ =	shalt  }
0x4a: {  	_ =	shalt  }
0x4b: {  	_ =	shalt  }
0x4c: {  	_ =	shalt  }
0x4d: {  	_ =	shalt  }
0x4e: {  	_ =	shalt  }
0x4f: {  	_ =	shalt  }
0x50: {  	_ =	shalt  }
0x51: {  	_ =	shalt  }
0x52: {  	_ =	shalt  }
0x53: {  	_ =	shalt  }
0x54: {  	_ =	shalt  }
0x55: {  	_ =	shalt  }
0x56: {  	_ =	shalt  }
0x57: {  	_ =	shalt  }
0x58: {  	_ =	shalt  }
0x59: {  	_ =	shalt  }
0x5a: {  	_ =	shalt  }
0x5b: {  	_ =	shalt  }
0x5c: {  	_ =	shalt  }
0x5d: {  	_ =	shalt  }
0x5e: {  	_ =	shalt  }
0x5f: {  	_ =	shalt  }
0x60: {  	_ =	shalt  }
0x61: {  	_ =	shalt  }
0x62: {  	_ =	shalt  }
0x63: {  	_ =	shalt  }
0x64: {  	_ =	shalt  }
0x65: {  	_ =	shalt  }
0x66: {  	_ =	shalt  }
0x67: {  	_ =	shalt  }
0x68: {  	_ =	shalt  }
0x69: {  	_ =	shalt  }
0x6a: {  	_ =	shalt  }
0x6b: {  	_ =	shalt  }
0x6c: {  	_ =	shalt  }
0x6d: {  	_ =	shalt  }
0x6e: {  	_ =	shalt  }
0x6f: {  	_ =	shalt  }
0x70: {  	_ =	shalt  }
0x71: {  	_ =	shalt  }
0x72: {  	_ =	shalt  }
0x73: {  	_ =	shalt  }
0x74: {  	_ =	shalt  }
0x75: {  	_ =	shalt  }
0x76: {  	_ =	shalt  }
0x77: {  	_ =	shalt  }
0x78: {  	_ =	shalt  }
0x79: {  	_ =	shalt  }
0x7a: {  	_ =	shalt  }
0x7b: {  	_ =	shalt  }
0x7c: {  	_ =	shalt  }
0x7d: {  	_ =	shalt  }
0x7e: {  	_ =	shalt  }
0x7f: {  	_ =	shalt  }
0x80: {  	_ =	shalt  }
0x81: {  	_ =	shalt  }
0x82: {  	_ =	shalt  }
0x83: {  	_ =	shalt  }
0x84: {  	_ =	shalt  }
0x85: {  	_ =	shalt  }
0x86: {  	_ =	shalt  }
0x87: {  	_ =	shalt  }
.Lfunc_end0:
.L_simem_size_0:
called_computation.1_lowered:
.L_overlay_start_0:
0x88: {  	s2 =	sld [smem:$0x3FD9]  }
0x89: {  	s3 =	sld [smem:$0x3FFE];
	_ =	sdelay $0x1  }
0x8a: {  	s1 =	srdreg.scid  }
0x8b: {  	s0 =	sand.u32 $0x1, s1  }
0x8c: {  	s17 =	sshll.u32 s0, $0xA;
	s2 =	sadd.s32 s3, s2  }
0x8d: {  	s2 =	sadd.s32 s2, s17  }
0x8e: {  	[smem:$0x3FC2] =	sst s2  }
0x8f: {  	_ = 	snop  }
0x90: {  	s2 =	sld [smem:$0x3FC9]  }
0x91: {  	s18 =	sld [smem:$0x3FC8]  }
0x92: {  	s4 =	sld [smem:$0x3FC7]  }
0x93: {  	s5 =	sld [smem:$0x3FC6]  }
0x94: {  	s6 =	sld [smem:$0x3FC5]  }
0x95: {  	s7 =	sld [smem:$0x3FD0];
	(tm) =	ssettm $0x1  }
0x96: {  	s8 =	sld [smem:$0x3FFB];
	_ =	sdelay $0x3  }
0x97: {  	_ =	strace s8  }
0x98: {  	s8 =	sld [smem:$0x3FFC];
	_ =	sdelay $0x3  }
0x99: {  	_ =	strace s8  }
0x9a: {  	s8 =	sld [smem:$0x3FFD];
	_ =	sdelay $0x3  }
0x9b: {  	_ =	strace s8  }
0x9c: {  	_ =	strace $0x8FFFFFFF  }
0x9d: {  	s19 =	sld [smem:$0x3FDB];
	_ =	sdelay $0x1  }
0x9e: {  	s9 =	simm.s32 $_scs_section_size  }
0x9f: {  	s10 =	simm.s32 $_size__tile_overlayer_lowered;
	s11 =	simm.s32 $_tile_overlayer_lowered  }
0xa0: {  	s22 =	simm.s32 $0x1BFF;
	s21 =	sshll.u32 s11, $0x1;
	s8 =	sadd.s32 s9, s19  }
0xa1: {  	s12 =	simm.s32 $0x0;
	s20 =	sshll.u32 s10, $0x1;
	s10 =	sadd.s32 s21, s8  }
0xa2: {  	[timem:s12], [sflag:s22] =	dma.local [hbm:s10], s20  }
0xa3: {  	_ =	swait.ge [sflag:s22], s20  }
0xa4: {  	s9 =	ssub.s32 $0x0, s20;
	[sflag:s22] =	ssyncset.done $0x0  }
0xa5: {  	[sflag:s22] =	ssyncadd.s32 s9;
	_ =	sdelay $0x1  }
0xa6: {  	s23 =	simm.s32 $0x1B8B  }
0xa7: {  	_ =	swait.ge [sflag:s23], $0x1  }
0xa8: {  	[sflag:s23] =	ssyncset.done $0x0  }
0xa9: {  	s25 =	simm.s32 $0x1B8E;
	s24 =	sld [smem:$0x3FFE];
	[sflag:s23] =	ssyncadd.s32 $0xFFFFFFFF  }
0xaa: {  	s26 =	simm.s32 $execute0_lowered;
	[smem:$0x3FD2] =	sst s25  }
0xab: {  	s10 =	sshll.u32 s26, $0x1;
	_ =	strace $0x80000046;
	[dreg:$0x1] =	wrdreg $0xFFFFFFFF  }
0xac: {  	s28 =	simm.s32 $_size_execute0_lowered;
	s8 =	sadd.s32 s8, s10;
	[dreg:$0x0] =	wrdreg $0x0  }
0xad: {  	s10 =	sshll.u32 s28, $0x1;
	[dreg:$0x2] =	wrdreg s8  }
0xae: {  	[dreg:$0x3] =	wrdreg s10  }
0xaf: {  	[dreg:$0x4] =	wrdreg $0xC0  }
0xb0: {  	_ =	task [dreg:s12], $0x5FFFF  }
0xb1: {  	[dreg:$0x1] =	wrdreg $0xFFFFFFFF  }
0xb2: {  	[dreg:$0x0] =	wrdreg $0x60  }
0xb3: {  	[dreg:$0x2] =	wrdreg s2  }
0xb4: {  	[dreg:$0x3] =	wrdreg s18  }
0xb5: {  	[dreg:$0x4] =	wrdreg s4  }
0xb6: {  	[dreg:$0x5] =	wrdreg s5  }
0xb7: {  	[dreg:$0x6] =	wrdreg s6  }
0xb8: {  	[dreg:$0x7] =	wrdreg s24  }
0xb9: {  	[dreg:$0x8] =	wrdreg s7  }
0xba: {  	[dreg:$0x9] =	wrdreg $0x0  }
0xbb: {  	[dreg:$0xa] =	wrdreg $0x3A980  }
0xbc: {  	[dreg:$0xb] =	wrdreg $0x9  }
0xbd: {  	_ =	task.clear_ibuf [dreg:s12], $0xCFFFF;
	_ =	strace $0x90000046  }
0xbe: {  	s29 =	simm.s32 $0x9;
	_ =	strace $0x80000048  }
0xbf: {  	_ =	swait.ge [sflag:s29], $0x1  }
0xc0: {  	[sflag:s29] =	ssyncadd.s32 $0xFFFFFFFF  }
0xc1: {  	_ =	strace $0x90000048  }
0xc2: {  	_ =	sfence  }
0xc3: {  	s30 =	sld [smem:$0x0];
	_ =	sdelay $0x2  }
0xc4: {  	s31 =	sshll.u32 s1, $0xD;
	s1 =	sshrl.u32 s1, $0x2  }
0xc5: {  	s3 =	sand.u32 $0x4000, s31;
	s1 =	sadd.s32 s1, s30  }
0xc6: {  	s0 =	sor.u32 s3, s0;
	s1 =	sshll.u32 s1, $0x11  }
0xc7: {  	s0 =	sor.u32 s1, s0  }
0xc8: {  	s0 =	sadd.s32 $0x8F2B, s0  }
0xc9: {  	[sflag:s0] =	ssyncadd.remote.s32 $0x1  }
0xca: {  	_ =	sfence.sel $0xFFFF  }
0xcb: {  	[dreg:$0x0] =	wrdreg $0xFFFFFFFF;
	(pc) =	sbr.abs _section_cstart, $3  }
0xcc: {  	[dreg:$0x1] =	wrdreg $0xFFFFFFFF  }
0xcd: {  	_ =	task.clear_ibuf [dreg:s12], $0x2FFFF;
	_ =	strace $0x9FFFFFFF  }
0xce: {  	(tm) =	ssettm $0x7FFFFFFF  }
0xcf: {  	_ =	shalt  }
tec
execute0_lowered:
.L_overlay_start_1:
0x0: {  	(tag) =	ssettag $0x1  }
0x1: {  	s3 =	rddreg [dreg:$0x3]  }
0x2: {  	s5 =	rddreg [dreg:$0x4]  }
0x3: {  	s0 =	rddreg [dreg:$0x5]  }
0x4: {  	s7 =	rddreg [dreg:$0x6]  }
0x5: {  	s8 =	rddreg [dreg:$0x7]  }
0x6: {  	s10 =	rddreg [dreg:$0x8]  }
0x7: {  	s9 =	simm.s32 $0x0;
	s23 =	srdreg.scid;
	s24 =	stileid.u32  }
0x8: {  	s21 =	simm.s32 $0x9C40;
	s28 =	simm.s32 $0xEE50;
	s29 =	simm.s32 $0xF170  }
0x9: {  	s30 =	simm.s32 $0x1;
	s31 =	simm.s32 $0x320;
	s19 =	simm.s32 $0x12370  }
0xa: {  	s14 =	simm.s32 $0x16E70;
	[smem:$0x7FF] =	sst s9;
	s1 =	sadd.s32 $0x800, s0  }
0xb: {  	s22 =	sadd.s32 $0x200, s0;
	s2 =	sadd.s32 $0xE00, s0;
	s4 =	sadd.s32 $0x8400, s0  }
0xc: {  	s6 =	sshll.u32 s24, $0x1;
	_ =	strace $0x80000047;
	[dreg:$0xa] =	wrdreg s1  }
0xd: {  	s0 =	sadd.s32 $0x14800, s0;
	s16 =	sadd.s32 $0x8, s7;
	[dreg:$0xb] =	wrdreg s22  }
0xe: {  	s17 =	sadd.s32 $0x3, s7;
	p0 =	sne.s32 s24, $0x0;
	[dreg:$0xc] =	wrdreg s2  }
0xf: {  	s24 =	simm.s32 $0xEA60;
	s1 =	sand.u32 $0x1, s23;
	[dreg:$0xd] =	wrdreg s4  }
0x10: {  	[dreg:$0xe] =	wrdreg s0;
	s23 =	simm.s32 $0xC350;
	s25 =	ssub.s32 $0x2, s1  }
0x11: {  	s4 =	simm.s32 $0xF490;
	s22 =	simm.s32 $0x10A70;
	s26 =	sshrl.u32 s25, $0x1  }
0x12: {  	s2 =	simm.s32 $0x0;
	s1 =	sor.u32 s1, s6;
	s0 =	ssub.s32 s25, s26  }
0x13: {  	s6 =	simm.s32 $0x28;
	s15 =	smul.u32 $0x4E20, s1;
	s0 =	smax.u32 s0, $0x1  }
0x14: {  	s1 =	simm.s32 $0x48;
	[dreg:$0xf] =	wrdreg s0;
	s0 =	sshrl.u32 @!p0 s8, $0x3  }
0x15: {  	v0 =	vlaneseq.u32;
	s25 =	simm.s32 $0xEAC8;
	[dreg:$0x10] =	wrdreg s0;
	s0 =	sshrl.u32 @!p0 s10, $0x3  }
0x16: {  	v0 =	vmul.u32 $0x8, v0;
	s26 =	simm.s32 $0xEB30;
	s10 =	simm.s32 $0xF7B0;
	[dreg:$0x11] =	wrdreg s0  }
.LBB2_1:
0x17: {  	[dreg:$0x12] =	wrdreg s2  }
0x18: {  	s2 =	rddreg [dreg:$0xc]  }
0x19: {  	s0 =	simm.s32 @!p0 $0x1C02;
	s7 =	rddreg [dreg:$0x10]  }
0x1a: {  	[spmem:s7], [sflag:s0] =	dma.local @!p0 [hbm:s2], $0x7530  }
0x1b: {  	s2 =	simm.s32 @!p0 $0x2  }
0x1c: {  	_ =	swait.ge @!p0 [sflag:s2], $0x7530  }
0x1d: {  	[sflag:s2] =	ssyncset.done @!p0 $0x0;
	s7 =	rddreg [dreg:$0xd]  }
0x1e: {  	s8 =	rddreg [dreg:$0x11];
	[sflag:s2] =	ssyncadd.s32 @!p0 $0xFFFF8AD0  }
0x1f: {  	[spmem:s8], [sflag:s0] =	dma.local @!p0 [hbm:s7], $0xC350  }
0x20: {  	_ =	swait.ge @!p0 [sflag:s2], $0xC350  }
0x21: {  	[sflag:s2] =	ssyncset.done @!p0 $0x0  }
0x22: {  	s13 =	simm.s32 $0x2;
	s12 =	rddreg [dreg:$0xa];
	[sflag:s2] =	ssyncadd.s32 @!p0 $0xFFFF3CB0  }
0x23: {  	[tilespmem:s21], [sflag:$0x2] =	stream.linear.gather [hbm4b:s12+s9], $0x2710, $0x38;
	[tilespmem:$0x1EB70] =	vst v63  }
0x24: {  	_ =	swait.ge [sflag:s13], $0x2710  }
0x25: {  	[sflag:s13] =	ssyncset.done $0x0  }
0x26: {  	s18 =	rddreg [dreg:$0xb];
	[sflag:s13] =	ssyncadd.s32 $0xFFFFD8F0  }
0x27: {  	[tilespmem:s23], [sflag:$0x2] =	stream.linear.gather [hbm4b:s18+s9], $0x2710, $0x38;
	[tilespmem:$0x1EB70] =	vst v63  }
0x28: {  	_ =	swait.ge [sflag:s13], $0x2710  }
0x29: {  	[sflag:s13] =	ssyncset.done $0x0  }
0x2a: {  	s20 =	rddreg [dreg:$0xe];
	[sflag:s13] =	ssyncadd.s32 $0xFFFFD8F0  }
0x2b: {  	[tilespmem:s24], [sflag:$0x2] =	stream.linear.gather [hbm4b:s20+s9], $0x68, $0x38;
	[tilespmem:$0x1EB70] =	vst v63  }
0x2c: {  	_ =	swait.ge [sflag:s13], $0x68  }
0x2d: {  	[sflag:s13] =	ssyncset.done $0x0  }
0x2e: {  	[sflag:s13] =	ssyncadd.s32 $0xFFFFFF98  }
0x2f: {  	[tilespmem:s25], [sflag:$0x2] =	stream.linear.gather [hbm4b:s20+s9], $0x68, $0x38;
	[tilespmem:$0x1EB70] =	vst v63  }
0x30: {  	_ =	swait.ge [sflag:s13], $0x68  }
0x31: {  	[sflag:s13] =	ssyncset.done $0x0  }
0x32: {  	[sflag:s13] =	ssyncadd.s32 $0xFFFFFF98  }
0x33: {  	s7 =	simm.s32 $0x0;
	[bflag:$0x0] =	sbarrier.arrive $0xFFFF  }
.LBB2_2:
0x34: {  	s0 =	smul.u32 $0x320, s7;
	_ =	sdelay $0x1  }
0x35: {  	s8 =	sadd.s32 s15, s0  }
0x36: {  	s2 =	rddreg [dreg:$0x0];
	s0 =	sshrl.u32 s8, $0x3  }
0x37: {  	s18 =	rddreg [dreg:$0x1];
	s2 =	sadd.s32 s2, s0  }
0x38: {  	[tilespmem:s26], [sflag:$0x1] =	stream.linear.gather [hbm4b:s2+s9], $0x320, $0x38;
	[tilespmem:$0x1EB70] =	vst v63  }
0x39: {  	s20 =	rddreg [dreg:$0x2];
	s2 =	sadd.s32 s18, s0  }
0x3a: {  	[tilespmem:s28], [sflag:$0x1] =	stream.linear.gather [hbm4b:s2+s9], $0x320, $0x38;
	[tilespmem:$0x1EB70] =	vst v63  }
0x3b: {  	s0 =	sadd.s32 s20, s0  }
0x3c: {  	[tilespmem:s29], [sflag:$0x1] =	stream.linear.gather [hbm4b:s0+s9], $0x320, $0x38;
	[tilespmem:$0x1EB70] =	vst v63  }
0x3d: {  	_ =	swait.ge [sflag:s30], $0x320  }
0x3e: {  	[sflag:s30] =	ssyncset.done $0x0  }
0x3f: {  	[sflag:s30] =	ssyncadd.s32 $0xFFFFFCE0  }
0x40: {  	_ =	swait.ge [sflag:s30], $0x320  }
0x41: {  	[sflag:s30] =	ssyncset.done $0x0  }
0x42: {  	[sflag:s30] =	ssyncadd.s32 $0xFFFFFCE0  }
0x43: {  	_ =	swait.ge [sflag:s30], $0x320  }
0x44: {  	[sflag:s30] =	ssyncset.done $0x0  }
0x45: {  	[sflag:s30] =	ssyncadd.s32 $0xFFFFFCE0  }
0x46: {  	[tilespmem:s4], [sflag:$0x1] =	stream.indirect.gather [hbm4b:s3+s31], $0x1, s28, s31, $0xb8;
	[tilespmem:$0x1EB70] =	vst v63  }
0x47: {  	_ = 	snop  }
0x48: {  	[tilespmem:s10], [sflag:$0x1] =	stream.indirect.gather [hbm4b:s3+s31], $0x1, s29, s31, $0xb8;
	[tilespmem:$0x1EB70] =	vst v63  }
0x49: {  	s11 =	simm.s32 $0xFAD0  }
0x4a: {  	[tilespmem:s11], [sflag:$0x1] =	stream.indirect.gather [hbm4b:s5+s31], $0x1, s26, s31, $0xb8;
	[tilespmem:$0x1EB70] =	vst v63  }
0x4b: {  	_ =	swait.ge [sflag:s30], $0x320  }
0x4c: {  	[sflag:s30] =	ssyncset.done $0x0  }
0x4d: {  	[sflag:s30] =	ssyncadd.s32 $0xFFFFFCE0  }
0x4e: {  	_ =	swait.ge [sflag:s30], $0x320  }
0x4f: {  	[sflag:s30] =	ssyncset.done $0x0  }
0x50: {  	s12 =	simm.s32 $0xFDF0;
	[sflag:s30] =	ssyncadd.s32 $0xFFFFFCE0  }
0x51: {  	[tilespmem:s12], [sflag:$0x1] =	stream.indirect.gather [hbm4b:s5+s31], $0x1, s4, s31, $0xb8;
	[tilespmem:$0x1EB70] =	vst v63  }
0x52: {  	s13 =	simm.s32 $0x10110  }
0x53: {  	[tilespmem:s13], [sflag:$0x1] =	stream.indirect.gather [hbm4b:s5+s31], $0x1, s10, s31, $0xb8;
	[tilespmem:$0x1EB70] =	vst v63  }
0x54: {  	_ =	swait.ge [sflag:s30], $0x320  }
0x55: {  	[sflag:s30] =	ssyncset.done $0x0  }
0x56: {  	[sflag:s30] =	ssyncadd.s32 $0xFFFFFCE0  }
0x57: {  	_ =	swait.ge [sflag:s30], $0x320  }
0x58: {  	[sflag:s30] =	ssyncset.done $0x0  }
0x59: {  	[sflag:s30] =	ssyncadd.s32 $0xFFFFFCE0  }
0x5a: {  	_ =	swait.ge [sflag:s30], $0x320  }
0x5b: {  	[sflag:s30] =	ssyncset.done $0x0  }
0x5c: {  	s11 =	simm.s32 $0xFE10;
	[sflag:s30] =	ssyncadd.s32 $0xFFFFFCE0  }
0x5d: {  	v1 =	vld [tilespmem:s11+$0xFFFFFFE0]  }
0x5e: {  	s12 =	simm.s32 $0x10130  }
0x5f: {  	v2 =	vld [tilespmem:s12+$0xFFFFFFE0];
	_ =	sdelay $0x2  }
0x60: {  	v3 =	vmul.u32 $0x64, v1;
	_ =	sdelay $0x1  }
0x61: {  	s18 =	simm.s32 $0x10450;
	v2 =	vadd.s32 v2, v3  }
0x62: {  	s20 =	simm.s32 $0xFAF0;
	[tilespmem:s18+$0xFFFFFFE0] =	vst v2  }
0x63: {  	v2 =	vld [tilespmem:s20+$0xFFFFFFE0];
	_ =	sdelay $0x4  }
0x64: {  	v2 =	vmul.u32 $0x64, v2;
	_ =	sdelay $0x1  }
0x65: {  	s13 =	simm.s32 $0x10770;
	v1 =	vadd.s32 v1, v2  }
0x66: {  	[tilespmem:s13+$0xFFFFFFE0] =	vst v1  }
0x67: {  	v1 =	vld [tilespmem:s11+$0xFFFFFFF0];
	_ =	sdelay $0x1  }
0x68: {  	v2 =	vld [tilespmem:s12+$0xFFFFFFF0];
	_ =	sdelay $0x2  }
0x69: {  	v3 =	vmul.u32 $0x64, v1;
	_ =	sdelay $0x1  }
0x6a: {  	v2 =	vadd.s32 v2, v3  }
0x6b: {  	[tilespmem:s18+$0xFFFFFFF0] =	vst v2  }
0x6c: {  	v2 =	vld [tilespmem:s20+$0xFFFFFFF0];
	_ =	sdelay $0x4  }
0x6d: {  	v2 =	vmul.u32 $0x64, v2;
	_ =	sdelay $0x1  }
0x6e: {  	v1 =	vadd.s32 v1, v2  }
0x6f: {  	[tilespmem:s13+$0xFFFFFFF0] =	vst v1  }
0x70: {  	v1 =	vld [tilespmem:s11+$0x0];
	_ =	sdelay $0x1  }
0x71: {  	v2 =	vld [tilespmem:s12+$0x0];
	_ =	sdelay $0x2  }
0x72: {  	v3 =	vmul.u32 $0x64, v1;
	_ =	sdelay $0x1  }
0x73: {  	v2 =	vadd.s32 v2, v3  }
0x74: {  	[tilespmem:s18+$0x0] =	vst v2  }
0x75: {  	v2 =	vld [tilespmem:s20+$0x0];
	_ =	sdelay $0x4  }
0x76: {  	v2 =	vmul.u32 $0x64, v2;
	_ =	sdelay $0x1  }
0x77: {  	v1 =	vadd.s32 v1, v2  }
0x78: {  	[tilespmem:s13+$0x0] =	vst v1  }
0x79: {  	v1 =	vld [tilespmem:s11+$0x10];
	_ =	sdelay $0x1  }
0x7a: {  	v2 =	vld [tilespmem:s12+$0x10];
	_ =	sdelay $0x2  }
0x7b: {  	v3 =	vmul.u32 $0x64, v1;
	_ =	sdelay $0x1  }
0x7c: {  	v2 =	vadd.s32 v2, v3  }
0x7d: {  	[tilespmem:s18+$0x10] =	vst v2  }
0x7e: {  	v2 =	vld [tilespmem:s20+$0x10];
	_ =	sdelay $0x4  }
0x7f: {  	v2 =	vmul.u32 $0x64, v2  }
0x80: {  	s2 =	simm.s32 $0x107B0  }
0x81: {  	s0 =	simm.s32 $0xFB30;
	s18 =	simm.s32 $0x0;
	s20 =	simm.s32 $0x10490;
	v1 =	vadd.s32 v1, v2  }
.LBB2_3:
0x82: {  	s18 =	sadd.s32 $0x4, s18;
	[tilespmem:s13+$0x10] =	vst v1;
	s11 =	sadd.s32 $0x40, s11;
	s12 =	sadd.s32 $0x40, s12  }
0x83: {  	s13 =	smov.u32 s2;
	v1 =	vld [tilespmem:s11+$0xFFFFFFE0];
	p1 =	slt.u32 s18, $0x2C;
	_ =	sdelay $0x1  }
0x84: {  	v2 =	vld [tilespmem:s12+$0xFFFFFFE0];
	_ =	sdelay $0x2  }
0x85: {  	v3 =	vmul.u32 $0x64, v1;
	_ =	sdelay $0x1  }
0x86: {  	v2 =	vadd.s32 v2, v3  }
0x87: {  	[tilespmem:s20+$0xFFFFFFE0] =	vst v2  }
0x88: {  	v2 =	vld [tilespmem:s0+$0xFFFFFFE0];
	_ =	sdelay $0x4  }
0x89: {  	v2 =	vmul.u32 $0x64, v2;
	_ =	sdelay $0x1  }
0x8a: {  	v1 =	vadd.s32 v1, v2  }
0x8b: {  	[tilespmem:s2+$0xFFFFFFE0] =	vst v1  }
0x8c: {  	v1 =	vld [tilespmem:s11+$0xFFFFFFF0];
	_ =	sdelay $0x1  }
0x8d: {  	v2 =	vld [tilespmem:s12+$0xFFFFFFF0];
	_ =	sdelay $0x2  }
0x8e: {  	v3 =	vmul.u32 $0x64, v1;
	_ =	sdelay $0x1  }
0x8f: {  	v2 =	vadd.s32 v2, v3  }
0x90: {  	[tilespmem:s20+$0xFFFFFFF0] =	vst v2  }
0x91: {  	v2 =	vld [tilespmem:s0+$0xFFFFFFF0];
	_ =	sdelay $0x4  }
0x92: {  	v2 =	vmul.u32 $0x64, v2;
	_ =	sdelay $0x1  }
0x93: {  	v1 =	vadd.s32 v1, v2  }
0x94: {  	[tilespmem:s2+$0xFFFFFFF0] =	vst v1  }
0x95: {  	v1 =	vld [tilespmem:s11+$0x0];
	_ =	sdelay $0x1  }
0x96: {  	v2 =	vld [tilespmem:s12+$0x0];
	_ =	sdelay $0x2  }
0x97: {  	v3 =	vmul.u32 $0x64, v1;
	_ =	sdelay $0x1  }
0x98: {  	v2 =	vadd.s32 v2, v3  }
0x99: {  	[tilespmem:s20+$0x0] =	vst v2  }
0x9a: {  	v2 =	vld [tilespmem:s0+$0x0];
	_ =	sdelay $0x4  }
0x9b: {  	v2 =	vmul.u32 $0x64, v2;
	_ =	sdelay $0x1  }
0x9c: {  	v1 =	vadd.s32 v1, v2  }
0x9d: {  	[tilespmem:s2+$0x0] =	vst v1  }
0x9e: {  	v1 =	vld [tilespmem:s11+$0x10]  }
0x9f: {  	v2 =	vld [tilespmem:s12+$0x10];
	_ =	sdelay $0x3  }
0xa0: {  	v3 =	vmul.u32 $0x64, v1;
	_ =	sdelay $0x1  }
0xa1: {  	v2 =	vadd.s32 v2, v3  }
0xa2: {  	[tilespmem:s20+$0x10] =	vst v2  }
0xa3: {  	v2 =	vld [tilespmem:s0+$0x10];
	_ =	sdelay $0x2  }
.Ltmp0:
0xa4: {  	(pc) =	sbr.rel @p1 .LBB2_3-.Ltmp0, $3  }
0xa5: {  	_ = 	snop  }
0xa6: {  	v2 =	vmul.u32 $0x64, v2;
	_ =	sdelay $0x1  }
0xa7: {  	s2 =	sadd.s32 $0x40, s2;
	s20 =	sadd.s32 $0x40, s20;
	s0 =	sadd.s32 $0x40, s0;
	v1 =	vadd.s32 v1, v2  }
0xa8: {  	[tilespmem:s13+$0x10] =	vst v1  }
0xa9: {  	v1 =	vld [tilespmem:$0x100F0]  }
0xaa: {  	v2 =	vld [tilespmem:$0x10410]  }
0xab: {  	v3 =	vld [tilespmem:$0xFDD0]  }
0xac: {  	v4 =	vld [tilespmem:$0x10100]  }
0xad: {  	v5 =	vld [tilespmem:$0xFDE0]  }
0xae: {  	v6 =	vld [tilespmem:$0x10420]  }
0xaf: {  	v7 =	vmul.u32 $0x64, v1  }
0xb0: {  	v3 =	vmul.u32 $0x64, v3  }
0xb1: {  	v63 =	vmul.u32 $0x64, v4;
	v2 =	vadd.s32 v2, v7  }
0xb2: {  	v1 =	vadd.s32 v1, v3;
	[tilespmem:$0x10730] =	vst v2;
	v2 =	vmul.u32 $0x64, v5  }
0xb3: {  	[tilespmem:$0x10A50] =	vst v1;
	v1 =	vadd.s32 v6, v63  }
0xb4: {  	s0 =	rddreg [dreg:$0x7];
	[tilespmem:$0x10740] =	vst v1;
	v1 =	vadd.s32 v4, v2  }
0xb5: {  	s2 =	simm.s32 $0x10750;
	s18 =	rddreg [dreg:$0x8];
	s20 =	simm.s32 $0x10430;
	[tilespmem:$0x10A60] =	vst v1  }
0xb6: {  	[tilespmem:s19], [sflag:$0x1] =	stream.indirect.gather [spmem:s0], $0x18, s2, s31, $0xb8;
	[tilespmem:$0x1EB70] =	vst v63  }
0xb7: {  	s11 =	simm.s32 $0xF4A0;
	s12 =	simm.s32 $0xF7C0;
	s13 =	simm.s32 $0x10120  }
0xb8: {  	[tilespmem:s14], [sflag:$0x1] =	stream.indirect.gather [spmem:s18], $0x28, s20, s31, $0xb8;
	[tilespmem:$0x1EB70] =	vst v63  }
0xb9: {  	s0 =	simm.s32 $0xFFFFFFFE;
	s2 =	simm.s32 $0x0;
	s18 =	simm.s32 $0xEB40  }
.LBB2_5:
0xba: {  	v1 =	vld [tilespmem:s18+$0xFFFFFFF0]  }
0xbb: {  	v2 =	vld [tilespmem:s11+$0xFFFFFFF0]  }
0xbc: {  	v3 =	vld [tilespmem:s12+$0xFFFFFFF0];
	_ =	sdelay $0x3  }
0xbd: {  	v4 =	vld [tilespmem:s13+$0xFFFFFFF0];
	_ =	sdelay $0x1  }
0xbe: {  	v5 =	vld.idx.msk [tilespmem:v1+s21+$0x0], $0xffff  }
0xbf: {  	v6 =	vld.idx.msk [tilespmem:v2+s21+$0x0], $0xffff  }
0xc0: {  	v7 =	vld.idx.msk [tilespmem:v3+s21+$0x0], $0xffff;
	_ =	sdelay $0x1  }
0xc1: {  	v8 =	vmov s2;
	v1 =	vld.idx.msk [tilespmem:v1+s23+$0x0], $0xffff  }
0xc2: {  	v8 =	vshll.u32 v8, $0x3;
	v2 =	vld.idx.msk [tilespmem:v2+s23+$0x0], $0xffff  }
0xc3: {  	v8 =	vor.u32 v0, v8;
	v9 =	vld.idx.msk [tilespmem:v4+s24+$0x0], $0xffff  }
0xc4: {  	v57 =	vor.u32 $0x1, v8;
	v4 =	vld.idx.msk [tilespmem:v4+s25+$0x0], $0xffff;
	v6 =	vsub.f32 v6, v5;
	v5 =	vsub.f32 v7, v5  }
0xc5: {  	v10 =	vor.u32 $0x2, v8;
	v3 =	vld.idx.msk [tilespmem:v3+s23+$0x0], $0xffff  }
0xc6: {  	v58 =	vor.u32 $0x3, v8;
	v5 =	vadd.f32 v5, v6  }
0xc7: {  	v11 =	vor.u32 $0x4, v8  }
0xc8: {  	[tilespmem:v8+s22+$0x0] =	vst.idx.msk $0xffff, v9;
	v5 =	vmul.f32 $5.000000000e-01, v5  }
0xc9: {  	v2 =	vsub.f32 v2, v1;
	[tilespmem:v57+s22+$0x0] =	vst.idx.msk $0xffff, v4  }
0xca: {  	v1 =	vsub.f32 v3, v1;
	[tilespmem:v10+s22+$0x0] =	vst.idx.msk $0xffff, v5  }
0xcb: {  	[tilespmem:v58+s22+$0x0] =	vst.idx.msk $0xffff, v2  }
0xcc: {  	[tilespmem:v11+s22+$0x0] =	vst.idx.msk $0xffff, v1  }
0xcd: {  	v1 =	vld [tilespmem:s18+$0x0]  }
0xce: {  	v2 =	vld [tilespmem:s11+$0x0]  }
0xcf: {  	v3 =	vld [tilespmem:s12+$0x0];
	_ =	sdelay $0x3  }
0xd0: {  	v4 =	vld [tilespmem:s13+$0x0];
	_ =	sdelay $0x1  }
0xd1: {  	v5 =	vld.idx.msk [tilespmem:v1+s21+$0x0], $0xffff  }
0xd2: {  	v6 =	vld.idx.msk [tilespmem:v2+s21+$0x0], $0xffff  }
0xd3: {  	v7 =	vld.idx.msk [tilespmem:v3+s21+$0x0], $0xffff  }
0xd4: {  	s20 =	sadd.s32 $0x10, s2  }
0xd5: {  	v59 =	vmov s20;
	v1 =	vld.idx.msk [tilespmem:v1+s23+$0x0], $0xffff  }
0xd6: {  	v8 =	vshll.u32 v59, $0x3;
	v2 =	vld.idx.msk [tilespmem:v2+s23+$0x0], $0xffff  }
0xd7: {  	v8 =	vor.u32 v0, v8;
	v9 =	vld.idx.msk [tilespmem:v4+s24+$0x0], $0xffff  }
0xd8: {  	v60 =	vor.u32 $0x1, v8;
	v4 =	vld.idx.msk [tilespmem:v4+s25+$0x0], $0xffff;
	v6 =	vsub.f32 v6, v5;
	v5 =	vsub.f32 v7, v5  }
0xd9: {  	v61 =	vor.u32 $0x2, v8;
	v3 =	vld.idx.msk [tilespmem:v3+s23+$0x0], $0xffff  }
0xda: {  	s0 =	sadd.s32 $0x2, s0;
	v62 =	vor.u32 $0x3, v8;
	v5 =	vadd.f32 v5, v6  }
0xdb: {  	p1 =	slt.u32 s0, $0x30;
	v63 =	vor.u32 $0x4, v8  }
.Ltmp1:
0xdc: {  	[tilespmem:v8+s22+$0x0] =	vst.idx.msk $0xffff, v9;
	v5 =	vmul.f32 $5.000000000e-01, v5;
	(pc) =	sbr.rel @p1 .LBB2_5-.Ltmp1, $4  }
0xdd: {  	v2 =	vsub.f32 v2, v1;
	[tilespmem:v60+s22+$0x0] =	vst.idx.msk $0xffff, v4  }
0xde: {  	v1 =	vsub.f32 v3, v1;
	[tilespmem:v61+s22+$0x0] =	vst.idx.msk $0xffff, v5  }
0xdf: {  	s2 =	sadd.s32 $0x20, s2;
	s11 =	sadd.s32 $0x20, s11;
	[tilespmem:v62+s22+$0x0] =	vst.idx.msk $0xffff, v2  }
0xe0: {  	s12 =	sadd.s32 $0x20, s12;
	s13 =	sadd.s32 $0x20, s13;
	s18 =	sadd.s32 $0x20, s18;
	[tilespmem:v63+s22+$0x0] =	vst.idx.msk $0xffff, v1  }
0xe1: {  	_ =	swait.ge [sflag:s30], $0x4B00  }
0xe2: {  	[sflag:s30] =	ssyncset.done $0x0  }
0xe3: {  	[sflag:s30] =	ssyncadd.s32 $0xFFFFB500  }
0xe4: {  	s0 =	smul.u32 $0x9, s8;
	_ =	swait.ge [sflag:s30], $0x7D00  }
0xe5: {  	[sflag:s30] =	ssyncset.done $0x0  }
0xe6: {  	s13 =	simm.s32 $0x8;
	s2 =	sadd.s32 s0, s16;
	[sflag:s30] =	ssyncadd.s32 $0xFFFF8300  }
0xe7: {  	[hbm4b:s2+s13] =	stream.strided.scatter [tilespmem:s22], [sflag:$0x1], $0x1900, s1, s13, $0x38;
	[tilespmem:$0x1EB70] =	vst v63  }
0xe8: {  	s18 =	rddreg [dreg:$0x6]  }
0xe9: {  	s20 =	simm.s32 $0x18;
	s2 =	sadd.s32 s18, s0  }
0xea: {  	[hbm4b:s2+s20] =	stream.strided.scatter [tilespmem:s19], [sflag:$0x1], $0x4B00, s1, s20, $0x38;
	[tilespmem:$0x1EB70] =	vst v63  }
0xeb: {  	s0 =	sadd.s32 s0, s17  }
0xec: {  	[hbm4b:s0+s6] =	stream.strided.scatter [tilespmem:s14], [sflag:$0x1], $0x7D00, s1, s6, $0x38;
	[tilespmem:$0x1EB70] =	vst v63  }
0xed: {  	_ =	swait.ge [sflag:s30], $0x1900  }
0xee: {  	[sflag:s30] =	ssyncset.done $0x0  }
0xef: {  	s7 =	sadd.s32 $0x1, s7;
	[sflag:s30] =	ssyncadd.s32 $0xFFFFE700  }
0xf0: {  	p1 =	sne.s32 s7, $0x19;
	_ =	swait.ge [sflag:s30], $0x4B00  }
.Ltmp2:
0xf1: {  	[sflag:s30] =	ssyncset.done $0x0;
	(pc) =	sbr.rel @p1 .LBB2_2-.Ltmp2, $4  }
0xf2: {  	[sflag:s30] =	ssyncadd.s32 $0xFFFFB500  }
0xf3: {  	_ =	swait.ge [sflag:s30], $0x7D00  }
0xf4: {  	[sflag:s30] =	ssyncset.done $0x0  }
0xf5: {  	[sflag:s30] =	ssyncadd.s32 $0xFFFF8300  }
0xf6: {  	s2 =	rddreg [dreg:$0x12]  }
0xf7: {  	s0 =	rddreg [dreg:$0xf];
	s2 =	sadd.s32 $0x1, s2  }
0xf8: {  	p1 =	sne.s32 s2, s0  }
.Ltmp3:
0xf9: {  	_ = 	snop;
	(pc) =	sbr.rel @p1 .LBB2_1-.Ltmp3, $1  }
0xfa: {  	_ =	sdelay $0x3  }
0xfb: {  	_ =	sfence.sel $0x180000  }
0xfc: {  	[bflag:$0x0] =	sbarrier.arrive $0xFFFF  }
0xfd: {  	_ =	strace $0x90000047  }
0xfe: {  	[bflag:$0x2] =	sbarrier.arrive $0xFFFF  }
0xff: {  	s0 =	rddreg [dreg:$0x9]  }
0x100: {  	s0 =	sadd.s32 @!p0 $0x100000, s0  }
0x101: {  	[sflag:s0] =	ssyncadd.tile.s32 @!p0 $0x1;
	_ =	shalt  }
.Lfunc_end2:
_tile_overlayer_lowered:
.L_overlay_start_2:
0x102: {  	(tag) =	ssettag $0x2  }
0x103: {  	s0 =	rddreg [dreg:$0x0];
	s2 =	stileid.u32  }
0x104: {  	s1 =	rddreg [dreg:$0x1];
	p0 =	sne.s32 s2, $0x0  }
0x105: {  	s3 =	rddreg [dreg:$0x2];
	[bflag:$0x3] =	sbarrier.arrive $0xFFFF;
	s2 =	simm.s32 @!p0 $0x1C02  }
0x106: {  	[timem:s3], [sflag:s2] =	dma.local @!p0 [hbm:s0], s1  }
0x107: {  	s0 =	simm.s32 @!p0 $0x2  }
0x108: {  	_ =	swait.ge @!p0 [sflag:s0], s1  }
0x109: {  	s1 =	ssub.s32 @!p0 $0x0, s1;
	[sflag:s0] =	ssyncset.done @!p0 $0x0  }
0x10a: {  	[sflag:s0] =	ssyncadd.s32 @!p0 s1  }
0x10b: {  	[bflag:$0x3] =	sbarrier.arrive $0xFFFF  }
0x10c: {  	_ =	shalt  }

// kernel: sparse-core-data-format-call.cloned.1.call-start
scs
called_computation_lowered:
.L_overlay_start_0:
0x0: {  	s2 =	sld [smem:$0x3FD9]  }
0x1: {  	s3 =	sld [smem:$0x3FFE];
	_ =	sdelay $0x1  }
0x2: {  	s1 =	srdreg.scid  }
0x3: {  	s0 =	sand.u32 $0x1, s1  }
0x4: {  	s18 =	sshll.u32 s0, $0xA;
	s2 =	sadd.s32 s3, s2  }
0x5: {  	s2 =	sadd.s32 s2, s18  }
0x6: {  	[smem:$0x3FC2] =	sst s2  }
0x7: {  	_ = 	snop  }
0x8: {  	s2 =	sld [smem:$0x3FD0];
	(tm) =	ssettm $0x1  }
0x9: {  	s19 =	sld [smem:$0x3FFB];
	_ =	sdelay $0x3  }
0xa: {  	_ =	strace s19  }
0xb: {  	s3 =	sld [smem:$0x3FFC];
	_ =	sdelay $0x3  }
0xc: {  	_ =	strace s3  }
0xd: {  	s3 =	sld [smem:$0x3FFD];
	_ =	sdelay $0x3  }
0xe: {  	_ =	strace s3  }
0xf: {  	_ =	strace $0x8FFFFFFF  }
0x10: {  	s20 =	sld [smem:$0x3FDB];
	_ =	sdelay $0x1  }
0x11: {  	s4 =	simm.s32 $_scs_section_size  }
0x12: {  	s5 =	simm.s32 $_size__tile_overlayer_lowered;
	s6 =	simm.s32 $_tile_overlayer_lowered  }
0x13: {  	s23 =	simm.s32 $0x1BFF;
	s22 =	sshll.u32 s6, $0x1;
	s3 =	sadd.s32 s4, s20  }
0x14: {  	s7 =	simm.s32 $0x0;
	s21 =	sshll.u32 s5, $0x1;
	s5 =	sadd.s32 s22, s3  }
0x15: {  	[timem:s7], [sflag:s23] =	dma.local [hbm:s5], s21  }
0x16: {  	_ =	swait.ge [sflag:s23], s21  }
0x17: {  	s4 =	ssub.s32 $0x0, s21;
	[sflag:s23] =	ssyncset.done $0x0  }
0x18: {  	[sflag:s23] =	ssyncadd.s32 s4;
	_ =	sdelay $0x1  }
0x19: {  	s24 =	simm.s32 $0x1B8B  }
0x1a: {  	_ =	swait.ge [sflag:s24], $0x1  }
0x1b: {  	[sflag:s24] =	ssyncset.done $0x0  }
0x1c: {  	s26 =	simm.s32 $0x1B8E;
	s25 =	sld [smem:$0x3FFE];
	[sflag:s24] =	ssyncadd.s32 $0xFFFFFFFF  }
0x1d: {  	s27 =	simm.s32 $execute0_lowered;
	[smem:$0x3FD2] =	sst s26  }
0x1e: {  	s5 =	sshll.u32 s27, $0x1;
	_ =	strace $0x80000049;
	[dreg:$0x1] =	wrdreg $0xFFFFFFFF  }
0x1f: {  	s28 =	simm.s32 $_size_execute0_lowered;
	s3 =	sadd.s32 s3, s5;
	[dreg:$0x0] =	wrdreg $0x0  }
0x20: {  	s5 =	sshll.u32 s28, $0x1;
	[dreg:$0x2] =	wrdreg s3  }
0x21: {  	[dreg:$0x3] =	wrdreg s5  }
0x22: {  	[dreg:$0x4] =	wrdreg $0xC0  }
0x23: {  	_ =	task [dreg:s7], $0x5FFFF  }
0x24: {  	[dreg:$0x1] =	wrdreg $0xFFFFFFFF  }
0x25: {  	[dreg:$0x0] =	wrdreg $0x60  }
0x26: {  	[dreg:$0x2] =	wrdreg s25  }
0x27: {  	[dreg:$0x3] =	wrdreg s2  }
0x28: {  	[dreg:$0x4] =	wrdreg $0x9  }
0x29: {  	_ =	task.clear_ibuf [dreg:s7], $0x5FFFF;
	_ =	strace $0x90000049  }
0x2a: {  	s29 =	simm.s32 $0x9;
	_ =	strace $0x8000004B  }
0x2b: {  	_ =	swait.ge [sflag:s29], $0x1  }
0x2c: {  	[sflag:s29] =	ssyncadd.s32 $0xFFFFFFFF  }
0x2d: {  	_ =	strace $0x9000004B  }
0x2e: {  	_ =	sfence  }
0x2f: {  	s30 =	sld [smem:$0x0];
	_ =	sdelay $0x2  }
0x30: {  	s31 =	sshll.u32 s1, $0xD;
	s1 =	sshrl.u32 s1, $0x2  }
0x31: {  	s3 =	sand.u32 $0x4000, s31;
	s1 =	sadd.s32 s1, s30  }
0x32: {  	s0 =	sor.u32 s3, s0;
	s1 =	sshll.u32 s1, $0x11  }
0x33: {  	s0 =	sor.u32 s1, s0  }
0x34: {  	s0 =	sadd.s32 $0x8F2B, s0  }
0x35: {  	[sflag:s0] =	ssyncadd.remote.s32 $0x1  }
0x36: {  	_ =	sfence.sel $0xFFFF  }
0x37: {  	[dreg:$0x0] =	wrdreg $0xFFFFFFFF;
	(pc) =	sbr.abs _section_cstart, $3  }
0x38: {  	[dreg:$0x1] =	wrdreg $0xFFFFFFFF  }
0x39: {  	_ =	task.clear_ibuf [dreg:s7], $0x2FFFF;
	_ =	strace $0x9FFFFFFF  }
0x3a: {  	(tm) =	ssettm $0x7FFFFFFF  }
0x3b: {  	_ =	shalt  }
tec
execute0_lowered:
.L_overlay_start_1:
0x0: {  	(tag) =	ssettag $0x1  }
0x1: {  	s0 =	srdreg.scid  }
0x2: {  	s5 =	rddreg [dreg:$0x0];
	s1 =	sshll.u32 s0, $0x4  }
0x3: {  	s2 =	rddreg [dreg:$0x1];
	s0 =	stileid.u32;
	s1 =	sand.u32 $0x10, s1  }
0x4: {  	s4 =	simm.s32 $0x1;
	s8 =	simm.s32 $0x2;
	s1 =	sor.u32 s0, s1  }
0x5: {  	s12 =	simm.s32 $0x0;
	s9 =	simm.s32 $0x0;
	s3 =	sshll.u32 s1, $0x7  }
0x6: {  	s11 =	simm.s32 $0x0;
	s5 =	sadd.s32 $0x200, s5;
	s6 =	ssub.s32 $0x9C400, s3  }
.Ltmp0:
0x7: {  	s1 =	rddreg [dreg:$0x2];
	s7 =	sand.u32 $0xF80, s6;
	(pc) =	sbr.rel .LBB1_1-.Ltmp0, $4  }
0x8: {  	_ =	strace $0x8000004A;
	p0 =	sne.s32 s7, $0x0;
	s7 =	simm.s32 $0x1  }
0x9: {  	[sflag:s4] =	ssyncpa.u1 $0x0;
	s6 =	sshrl.u32 s6, $0xC;
	s7 =	simm.s32 @!p0 $0x0  }
0xa: {  	s10 =	smov.u32 s3;
	[sflag:s8] =	ssyncpa.u1 $0x0;
	s6 =	sadd.s32 s7, s6  }
0xb: {  	s8 =	simm.s32 $0x4E2000;
	p0 =	por $0x0, $0x0;
	s7 =	sadd.s32 $0x1, s6  }
.LBB1_4:
0xc: {  	s18 =	sshll.u32 s9, $0x3  }
0xd: {  	s19 =	sand.u32 $0x7F, s9;
	s20 =	sand.u32 $0xFFFFFC00, s18;
	s18 =	smulhi.u32 $0xD1B71759, s18  }
0xe: {  	v5 =	vld [tilespmem:s14+$0xFFFFFFD0];
	[tilespmem:s16+$0x2040 ss:$0x81] =	vst.msk $0xffff, v3;
	s19 =	sor.u32 s19, s20  }
0xf: {  	v58 =	vld [tilespmem:s14+$0xFFFFFFE0];
	[tilespmem:s16+$0x2850 ss:$0x81] =	vst.msk $0xffff, v4;
	s20 =	smulhi.u32 $0xD1B71759, s19;
	s18 =	sshrl.u32 s18, $0x13  }
0x10: {  	s17 =	sshra.s32 s17, $0x2;
	v59 =	vld [tilespmem:s14+$0xFFFFFFF0];
	[tilespmem:s16+$0x3060 ss:$0x81] =	vst.msk $0xffff, v2;
	p1 =	sgt.s32 s9, $0x9C380;
	s21 =	smul.u32 $0xE39, s18  }
0x11: {  	v60 =	vld [tilespmem:s14+$0x0];
	[tilespmem:s16+$0x0 ss:$0x81] =	vst.msk $0xffff, v0;
	s26 =	sshra.s32 s9, $0x1F;
	s15 =	sadd.s32 s17, s15;
	s20 =	sshrl.u32 s20, $0x13  }
0x12: {  	v61 =	vld [tilespmem:s14+$0x10];
	[tilespmem:s15+$0x3870 ss:$0x81] =	vst.msk $0xffff, v1;
	s24 =	smul.u32 $0x9C400, s20;
	s25 =	sshrl.u32 s21, $0x12;
	s20 =	smov.u32 s9  }
0x13: {  	v62 =	vld [tilespmem:s14+$0x20];
	[tilespmem:s15+$0x810 ss:$0x81] =	vst.msk $0xffff, v5;
	s21 =	sand.u32 s26, s9;
	s17 =	smul.u32 $0x48, s25;
	s20 =	simm.s32 @!p1 $0x9C380  }
0x14: {  	v63 =	vld [tilespmem:s14+$0xFFFFFFC0];
	[tilespmem:s15+$0x1020 ss:$0x81] =	vst.msk $0xffff, v58;
	s27 =	ssub.s32 s19, s24;
	s28 =	ssub.s32 s20, s21  }
0x15: {  	[tilespmem:s15+$0x1830 ss:$0x81] =	vst.msk $0xffff, v59;
	s17 =	ssub.s32 s18, s17;
	s29 =	sadd.s32 $0xFFF63C80, s28;
	s16 =	ssub.s32 $0x9C400, s28  }
0x16: {  	[tilespmem:s15+$0x2040 ss:$0x81] =	vst.msk $0xffff, v60;
	s30 =	sshrl.u32 s27, $0x3;
	s17 =	sand.u32 $0xFFFF, s17;
	s16 =	smul.u32 $0x120, s16  }
0x17: {  	[tilespmem:s15+$0x2850 ss:$0x81] =	vst.msk $0xffff, v61;
	s14 =	sand.u32 $0x7, s27;
	p1 =	sgt.s32 s29, $0x7F;
	s17 =	smul.u32 $0x13880, s17  }
0x18: {  	[tilespmem:s15+$0x3060 ss:$0x81] =	vst.msk $0xffff, v62;
	s18 =	sadd.s32 s2, s30;
	s14 =	sshll.u32 s14, $0x12;
	s16 =	sshrl.u32 s16, $0x2  }
0x19: {  	[tilespmem:s15+$0x0 ss:$0x81] =	vst.msk $0xffff, v63;
	s14 =	sor.u32 $0x400, s14;
	s16 =	simm.s32 @p1 $0x0;
	s31 =	sadd.s32 s17, s18  }
0x1a: {  	[hbm4b:s31+s14] =	stream.strided.scatter [tilespmem:s13], [sflag:$0x2], s16, s8, s14, $0x20;
	[tilespmem:$0x10100] =	vst v63  }
.LBB1_5:
0x1b: {  	p1 =	slt.u32 s11, $0x2  }
0x1c: {  	p2 =	sgt.s32 @!p1 s12, $0x9C380  }
0x1d: {  	s13 =	smov.u32 s12;
	s14 =	sshra.s32 @!p1 s12, $0x1F;
	p2 =	por !p2, p1  }
0x1e: {  	s12 =	sand.u32 @!p1 s14, s12;
	s13 =	simm.s32 @p2 $0x9C380  }
0x1f: {  	s12 =	ssub.s32 @!p1 s13, s12  }
0x20: {  	s13 =	ssub.s32 @!p1 $0x9C400, s12  }
0x21: {  	s12 =	sadd.s32 @!p1 $0xFFF63C80, s12;
	s13 =	smul.u32 @!p1 $0x120, s13  }
0x22: {  	p2 =	sgt.s32 @!p1 s12, $0x7F  }
0x23: {  	s14 =	sadd.s32 $0x1000, s10;
	p2 =	por !p2, p1;
	s12 =	sshrl.u32 @!p1 s13, $0x2  }
0x24: {  	s12 =	simm.s32 @!p2 $0x0;
	p2 =	sgt.s32 s14, $0x9C3FF  }
0x25: {  	s14 =	smov.u32 @p2 s3;
	p2 =	sne.s32 s11, s7  }
.Ltmp1:
0x26: {  	_ = 	snop;
	(pc) =	sbr.rel @!p2 .LBB1_6-.Ltmp1, $4  }
0x27: {  	s13 =	simm.s32 @!p1 $0x2  }
0x28: {  	p0 =	por !p0, !p0;
	_ =	swait.ge @!p1 [sflag:s13], s12;
	s15 =	ssub.s32 @!p1 $0x0, s12  }
0x29: {  	s12 =	smov.u32 s9;
	s11 =	sadd.s32 $0x1, s11;
	[sflag:s13] =	ssyncset.done @!p1 $0x0  }
0x2a: {  	s9 =	smov.u32 s10;
	s10 =	smov.u32 s14;
	[sflag:s13] =	ssyncadd.s32 @!p1 s15  }
.LBB1_1:
0x2b: {  	p1 =	sge.u32 s11, s6  }
0x2c: {  	s13 =	sand.u32 @!p1 $0x1FFFFFF, s10  }
0x2d: {  	s14 =	smulhi.u32 @!p1 $0x1A36E2F, s13;
	_ =	sdelay $0x1  }
0x2e: {  	s14 =	sshrl.u32 @!p1 s14, $0xC  }
0x2f: {  	s14 =	smul.u32 @!p1 $0x9C400, s14;
	_ =	sdelay $0x1  }
0x30: {  	s15 =	sxor.u32 @!p1 $0xFFFFFFFF, s11;
	s13 =	ssub.s32 @!p1 s13, s14  }
0x31: {  	s31 =	sadd.s32 $0xFFFFFFFF, s11;
	s14 =	sshll.u32 @!p1 s15, $0xE;
	s13 =	sshll.u32 @!p1 s13, $0x4  }
0x32: {  	s15 =	simm.s32 @!p1 $0x0;
	s14 =	sand.u32 @!p1 $0x4000, s14;
	s13 =	sadd.s32 @!p1 s5, s13  }
0x33: {  	[tilespmem:s14], [sflag:$0x1] =	stream.linear.gather @!p1 [hbm4b:s13+s15], $0x4000, $0x38;
	[tilespmem:$0x10100] =	vst v63  }
0x34: {  	p1 =	sge.u32 s31, s6  }
.Ltmp2:
0x35: {  	_ = 	snop;
	(pc) =	sbr.rel @p1 .LBB1_5-.Ltmp2, $1  }
0x36: {  	_ =	sdelay $0x3  }
0x37: {  	s13 =	simm.s32 $0x1  }
0x38: {  	_ =	swait.ge [sflag:s4], $0x4000;
	s13 =	simm.s32 @!p0 $0x0  }
0x39: {  	[sflag:s4] =	ssyncset.done $0x0;
	s14 =	sshll.u32 s13, $0xE  }
0x3a: {  	[sflag:s4] =	ssyncadd.s32 $0xFFFFC000;
	s14 =	sor.u32 $0x40, s14  }
0x3b: {  	s13 =	smul.u32 $0x10200, s13;
	v0 =	vld [tilespmem:s14+$0x30]  }
0x3c: {  	v1 =	vld [tilespmem:s14+$0xFFFFFFD0]  }
0x3d: {  	s13 =	sshrl.u32 s13, $0x2;
	v5 =	vld [tilespmem:s14+$0xFFFFFFE0]  }
0x3e: {  	v6 =	vld [tilespmem:s14+$0xFFFFFFF0];
	s15 =	sor.u32 $0x8000, s13  }
0x3f: {  	s31 =	sand.u32 $0x1, s11;
	v3 =	vld [tilespmem:s14+$0x0];
	s16 =	sadd.s32 $0x0, s15  }
0x40: {  	v4 =	vld [tilespmem:s14+$0x10];
	s13 =	smul.u32 $0x10200, s31;
	[tilespmem:s16+$0x3870 ss:$0x81] =	vst.msk $0xffff, v0  }
0x41: {  	v2 =	vld [tilespmem:s14+$0x20];
	[tilespmem:s16+$0x810 ss:$0x81] =	vst.msk $0xffff, v1  }
0x42: {  	s13 =	sshrl.u32 s13, $0x2;
	v0 =	vld [tilespmem:s14+$0xFFFFFFC0];
	[tilespmem:s16+$0x1020 ss:$0x81] =	vst.msk $0xffff, v5;
	s14 =	sadd.s32 $0x80, s14  }
0x43: {  	s17 =	simm.s32 $0x4;
	s18 =	simm.s32 $0x8;
	s13 =	sor.u32 $0x8000, s13;
	[tilespmem:s16+$0x1830 ss:$0x81] =	vst.msk $0xffff, v6;
	v1 =	vld [tilespmem:s14+$0x30]  }
.LBB1_3:
0x44: {  	p1 =	sne.s32 s18, $0x1FC;
	v5 =	vld [tilespmem:s14+$0xFFFFFFD0];
	[tilespmem:s16+$0x2040 ss:$0x81] =	vst.msk $0xffff, v3  }
0x45: {  	v6 =	vld [tilespmem:s14+$0xFFFFFFE0];
	[tilespmem:s16+$0x2850 ss:$0x81] =	vst.msk $0xffff, v4  }
0x46: {  	s19 =	sshra.s32 s17, $0x2;
	s17 =	smov.u32 s18;
	v7 =	vld [tilespmem:s14+$0xFFFFFFF0];
	[tilespmem:s16+$0x3060 ss:$0x81] =	vst.msk $0xffff, v2  }
.Ltmp3:
0x47: {  	v3 =	vld [tilespmem:s14+$0x0];
	[tilespmem:s16+$0x0 ss:$0x81] =	vst.msk $0xffff, v0;
	s16 =	sadd.s32 s19, s15;
	(pc) =	sbr.rel @p1 .LBB1_3-.Ltmp3, $4  }
0x48: {  	v4 =	vld [tilespmem:s14+$0x10];
	[tilespmem:s16+$0x3870 ss:$0x81] =	vst.msk $0xffff, v1  }
0x49: {  	[tilespmem:s16+$0x810 ss:$0x81] =	vst.msk $0xffff, v5;
	v2 =	vld [tilespmem:s14+$0x20]  }
0x4a: {  	v0 =	vld [tilespmem:s14+$0xFFFFFFC0];
	[tilespmem:s16+$0x1020 ss:$0x81] =	vst.msk $0xffff, v6;
	s14 =	sadd.s32 $0x80, s14  }
0x4b: {  	s18 =	sadd.s32 $0x4, s18;
	v1 =	vld [tilespmem:s14+$0x30];
	[tilespmem:s16+$0x1830 ss:$0x81] =	vst.msk $0xffff, v7  }
.Ltmp4:
0x4c: {  	_ = 	snop;
	(pc) =	sbr.rel .LBB1_4-.Ltmp4, $1  }
0x4d: {  	_ =	sdelay $0x3  }
.LBB1_6:
0x4e: {  	_ =	sfence.sel $0x180000  }
0x4f: {  	s2 =	simm.s32 $0x1;
	[bflag:$0x0] =	sbarrier.arrive $0xFFFF  }
0x50: {  	s31 =	simm.s32 $0x2;
	[sflag:s2] =	ssyncpa.u1 $0x1  }
0x51: {  	[sflag:s31] =	ssyncpa.u1 $0x1  }
0x52: {  	p0 =	sne.s32 s0, $0x0;
	_ =	strace $0x9000004A  }
0x53: {  	s0 =	sadd.s32 @!p0 $0x100000, s1;
	[bflag:$0x2] =	sbarrier.arrive $0xFFFF  }
0x54: {  	[sflag:s0] =	ssyncadd.tile.s32 @!p0 $0x1;
	_ =	shalt  }
.Lfunc_end1:
_tile_overlayer_lowered:
.L_overlay_start_2:
0x55: {  	(tag) =	ssettag $0x2  }
0x56: {  	s0 =	rddreg [dreg:$0x0];
	s2 =	stileid.u32  }
0x57: {  	s1 =	rddreg [dreg:$0x1];
	p0 =	sne.s32 s2, $0x0  }
0x58: {  	s3 =	rddreg [dreg:$0x2];
	[bflag:$0x3] =	sbarrier.arrive $0xFFFF;
	s2 =	simm.s32 @!p0 $0x1C01  }
0x59: {  	[timem:s3], [sflag:s2] =	dma.local @!p0 [hbm:s0], s1  }
0x5a: {  	s0 =	simm.s32 @!p0 $0x1  }
0x5b: {  	_ =	swait.ge @!p0 [sflag:s0], s1  }
0x5c: {  	s1 =	ssub.s32 @!p0 $0x0, s1;
	[sflag:s0] =	ssyncset.done @!p0 $0x0  }
0x5d: {  	[sflag:s0] =	ssyncadd.s32 @!p0 s1  }
0x5e: {  	[bflag:$0x3] =	sbarrier.arrive $0xFFFF  }
0x5f: {  	_ =	shalt  }

</sc_bundles>
